<compile_context>
chip_gen: v7x
topology: tpu7x:2x2x1
jax: 0.10.2.dev20260603
libtpu: 0.0.44.dev20260713+nightly
codegen_flags: <defaults>
</compile_context>

<pallas_src>
import functools

import jax
import jax.numpy as jnp
from jax import lax
from jax.experimental import pallas as pl
from jax.experimental.pallas import tpu as pltpu
from jax.experimental.pallas import tpu_sc as plsc

N = 10000
E = 320000
CH = 128
K = 27

NC = 2
NS = 16
NW = NC * NS
E_PER_W = E // NW
CHUNK = 125
NCHUNK = E_PER_W // CHUNK
ROWS_PER_TILE = 640
NP = NS * ROWS_PER_TILE



def _gidx_body(src_ref, kern_ref, out_ref):
    out_ref[...] = kern_ref[...] * N + src_ref[...]


def _compute_gidx(src, kern):
    src2 = src.reshape(E // CH, CH)
    kern2 = kern.reshape(E // CH, CH)
    out = pl.pallas_call(
        _gidx_body,
        out_shape=jax.ShapeDtypeStruct((E // CH, CH), jnp.int32),
    )(src2, kern2)
    return out.reshape(E)


def _matmul_body(x_ref, w_ref, out_ref):
    out_ref[0] = jnp.dot(x_ref[...], w_ref[0],
                         preferred_element_type=jnp.float32)


def _node_transform(x, w):
    return pl.pallas_call(
        _matmul_body,
        grid=(K,),
        in_specs=[
            pl.BlockSpec((N, CH), lambda k: (0, 0)),
            pl.BlockSpec((1, CH, CH), lambda k: (k, 0, 0)),
        ],
        out_specs=pl.BlockSpec((1, N, CH), lambda k: (k, 0, 0)),
        out_shape=jax.ShapeDtypeStruct((K, N, CH), jnp.float32),
    )(x, w)


def _combine_body(p_ref, b_ref, a_ref, out_ref):
    t = p_ref[0] + p_ref[1] + b_ref[...]
    out_ref[...] = jnp.where(t >= 0, t, a_ref[0, 0] * t)


def _combine(partials, b, a, bm=2000):
    grid = N // bm
    return pl.pallas_call(
        _combine_body,
        grid=(grid,),
        in_specs=[
            pl.BlockSpec((2, bm, CH), lambda i: (0, i, 0)),
            pl.BlockSpec((1, CH), lambda i: (0, 0)),
            pl.BlockSpec((1, 1), lambda i: (0, 0)),
        ],
        out_specs=pl.BlockSpec((bm, CH), lambda i: (i, 0)),
        out_shape=jax.ShapeDtypeStruct((N, CH), jnp.float32),
    )(partials, b, a)


def _final_body(p_ref, x_ref, b_ref, a_ref, out_ref):
    t = p_ref[0] + p_ref[1] + b_ref[...] + x_ref[...]
    out_ref[...] = jnp.where(t >= 0, t, a_ref[0, 0] * t)


def _final(partials, x, b, a, bm=2000):
    grid = N // bm
    return pl.pallas_call(
        _final_body,
        grid=(grid,),
        in_specs=[
            pl.BlockSpec((2, bm, CH), lambda i: (0, i, 0)),
            pl.BlockSpec((bm, CH), lambda i: (i, 0)),
            pl.BlockSpec((1, CH), lambda i: (0, 0)),
            pl.BlockSpec((1, 1), lambda i: (0, 0)),
        ],
        out_specs=pl.BlockSpec((bm, CH), lambda i: (i, 0)),
        out_shape=jax.ShapeDtypeStruct((N, CH), jnp.float32),
    )(partials, x, b, a)



_SC_MESH = plsc.VectorSubcoreMesh(core_axis_name="c", subcore_axis_name="s")


@functools.partial(
    pl.kernel,
    out_type=jax.ShapeDtypeStruct((NC, NP, CH), jnp.float32),
    mesh=_SC_MESH,
    scratch_types=[
        pltpu.VMEM_SHARED((NP, CH), jnp.float32),
        pltpu.VMEM((NCHUNK // 2, CHUNK), jnp.int32),
        pltpu.VMEM((NCHUNK // 2, CHUNK), jnp.int32),
        pltpu.VMEM((2, CHUNK, CH), jnp.float32),
        pltpu.SemaphoreType.DMA,
        pltpu.SemaphoreType.DMA,
        pltpu.SemaphoreType.DMA,
        pltpu.SemaphoreType.DMA,
    ],
)
def _sc_gather_scatter(h_hbm, gidx_hbm, dst_hbm, zeros_hbm, out_hbm,
                       acc, gidx_v, dst_v, rows_v, g0, g1, a0, a1):
    c = lax.axis_index("c")
    s = lax.axis_index("s")
    wid = c * NS + s
    gsem = (g0, g1)
    asem = (a0, a1)
    HALF = NCHUNK // 2

    pltpu.sync_copy(zeros_hbm, acc.at[pl.ds(s * ROWS_PER_TILE, ROWS_PER_TILE)])
    plsc.subcore_barrier()

    for half in range(2):
        pltpu.sync_copy(gidx_hbm.at[wid, pl.ds(half * HALF, HALF)], gidx_v)
        pltpu.sync_copy(dst_hbm.at[wid, pl.ds(half * HALF, HALF)], dst_v)
        pltpu.async_copy(h_hbm.at[gidx_v.at[0]], rows_v.at[0], gsem[0])

        def group(g, carry):
            for i in range(2):
                j = g * 2 + i
                o = (i + 1) % 2
                pltpu.make_async_copy(h_hbm.at[gidx_v.at[j]],
                                      rows_v.at[i], gsem[i]).wait()
                pltpu.async_copy(rows_v.at[i], acc.at[dst_v.at[j]], asem[i],
                                 add=True)

                @pl.when(j + 1 < HALF)
                def _():
                    @pl.when(j >= 1)
                    def _():
                        pltpu.make_async_copy(
                            rows_v.at[o], acc.at[dst_v.at[j - 1]],
                            asem[o]).wait()

                    pltpu.async_copy(h_hbm.at[gidx_v.at[j + 1]],
                                     rows_v.at[o], gsem[o])
            return carry

        lax.fori_loop(0, HALF // 2, group, 0, unroll=False)

        pltpu.make_async_copy(rows_v.at[0], acc.at[dst_v.at[HALF - 2]],
                              asem[0]).wait()
        pltpu.make_async_copy(rows_v.at[1], acc.at[dst_v.at[HALF - 1]],
                              asem[1]).wait()

    plsc.subcore_barrier()
    pltpu.sync_copy(acc.at[pl.ds(s * ROWS_PER_TILE, ROWS_PER_TILE)],
                    out_hbm.at[c, pl.ds(s * ROWS_PER_TILE, ROWS_PER_TILE)])



def kernel(x, edge_index, edge_kernel, W1, b1, a1, W2, b2, a2):
    src = edge_index[0]
    dst = edge_index[1]

    gidx = _compute_gidx(src, edge_kernel)
    gidx3 = gidx.reshape(NW, NCHUNK, CHUNK)
    dst3 = dst.reshape(NW, NCHUNK, CHUNK)
    zeros = jnp.zeros((ROWS_PER_TILE, CH), jnp.float32)

    b1_2 = b1.reshape(1, CH)
    b2_2 = b2.reshape(1, CH)
    a1_2 = a1.reshape(1, 1)
    a2_2 = a2.reshape(1, 1)

    h1 = _node_transform(x, W1).reshape(K * N, CH)
    p1 = _sc_gather_scatter(h1, gidx3, dst3, zeros)
    y1 = _combine(p1, b1_2, a1_2)
    h2 = _node_transform(y1, W2).reshape(K * N, CH)
    p2 = _sc_gather_scatter(h2, gidx3, dst3, zeros)
    return _final(p2, x, b2_2, a2_2)

# --- scband reference (transcript-rebuilt; emitter-appended) ---
"""Pipeline reference for scband-model-45801531245058 (READ-ONLY COPY).

The authoritative reference and input builder live on the scoring server;
editing this copy changes nothing except your own understanding.
"""

import jax, jax.numpy as jnp
import numpy as np

N = 10000
E = 320000
CH = 128
K = 27  # 3x3x3 kernel offsets of spnn.Conv3d(ch, ch, 3, 1, 1)


def setup_inputs(seed: int = 0) -> dict:
    key = jax.random.key(seed)
    ks = jax.random.split(key, 9)
    x = jax.random.normal(ks[0], (N, CH), dtype=jnp.float32)
    edge_index = jax.random.randint(ks[1], (2, E), 0, N, dtype=jnp.int32)
    edge_kernel = jax.random.randint(ks[2], (E,), 0, K, dtype=jnp.int32)
    scale = 1.0 / np.sqrt(CH * K)
    W1 = jax.random.normal(ks[3], (K, CH, CH), dtype=jnp.float32) * scale
    b1 = jnp.zeros((CH,), dtype=jnp.float32)
    a1 = jnp.full((1,), 0.25, dtype=jnp.float32)  # PReLU weight (num_parameters=1 default)
    W2 = jax.random.normal(ks[4], (K, CH, CH), dtype=jnp.float32) * scale
    b2 = jnp.zeros((CH,), dtype=jnp.float32)
    a2 = jnp.full((1,), 0.25, dtype=jnp.float32)
    return {"x": x, "edge_index": edge_index, "edge_kernel": edge_kernel,
            "W1": W1, "b1": b1, "a1": a1, "W2": W2, "b2": b2, "a2": a2}


def _sparse_conv3d(x, W, b, src, dst, kern):
    # Submanifold sparse conv math: out[dst] += W[k]^T x[src] over kernel-map edges.
    # Compute per-offset transforms densely, then gather per (src, kernel_offset)
    # and scatter-add into destination voxels (maps to SparseCore gather/scatter).
    h = jnp.einsum('nc,kcd->nkd', x, W)
    msg = h[src, kern]
    out = jnp.zeros((x.shape[0], W.shape[2]), dtype=x.dtype).at[dst].add(msg)
    return out + b[None, :]


def _prelu(y, a):
    return jnp.where(y >= 0, y, a * y)


def reference(x, edge_index, edge_kernel, W1, b1, a1, W2, b2, a2):
    src = edge_index[0]
    dst = edge_index[1]
    # Block.forward: conv -> PReLU -> conv -> residual add -> PReLU
    y = _sparse_conv3d(x, W1, b1, src, dst, edge_kernel)
    y = _prelu(y, a1)
    y = _sparse_conv3d(y, W2, b2, src, dst, edge_kernel)
    y = y + x
    y = _prelu(y, a2)
    return y

if __name__ == "__main__":
    import jax
    _d = setup_inputs()
    print(jax.jit(kernel)(*tuple(_d.values())))

</pallas_src>

<mosaic_0001>
#map = affine_map<(d0, d1) -> (0, 0)>
#map1 = affine_map<(d0, d1) -> (0, 0, 0)>
module attributes {stable_mosaic.version = 14 : i64} {
  func.func @_sc_gather_scatter(%arg0: i32, %arg1: i32, %arg2: memref<270000x128xf32, #tpu.memory_space<hbm>>, %arg3: memref<32x80x125xi32, #tpu.memory_space<hbm>>, %arg4: memref<32x80x125xi32, #tpu.memory_space<hbm>>, %arg5: memref<640x128xf32, #tpu.memory_space<hbm>>, %arg6: memref<2x10240x128xf32, #tpu.memory_space<hbm>>, %arg7: memref<10240x128xf32, #tpu.memory_space<vmem_shared>>, %arg8: memref<40x125xi32, #tpu.memory_space<vmem>>, %arg9: memref<40x125xi32, #tpu.memory_space<vmem>>, %arg10: memref<2x125x128xf32, #tpu.memory_space<vmem>>, %arg11: memref<!tpu.dma_semaphore, #tpu.memory_space<semaphore_mem>>, %arg12: memref<!tpu.dma_semaphore, #tpu.memory_space<semaphore_mem>>, %arg13: memref<!tpu.dma_semaphore, #tpu.memory_space<semaphore_mem>>, %arg14: memref<!tpu.dma_semaphore, #tpu.memory_space<semaphore_mem>>) attributes {dimension_semantics = [#tpu.dimension_semantics<core_parallel>, #tpu.dimension_semantics<subcore_parallel>], iteration_bounds = array<i64: 2, 16>, scalar_prefetch = 0 : i64, scratch_operands = 8 : i64, tpu.core_type = #tpu.core_type<sc_vector_subcore>, window_params = [{transform_indices = #map}, {transform_indices = #map1}, {transform_indices = #map1}, {transform_indices = #map}, {transform_indices = #map1}]} {
    %mul3A = arith.constant 16 : i32
    %mul3A_0 = arith.muli %arg0, %mul3A : i32
    %add3A = arith.addi %mul3A_0, %arg1 : i32
    %mul3A_1 = arith.constant 640 : i32
    %mul3A_2 = arith.muli %arg1, %mul3A_1 : i32
    "tpu.region"() ({
      %run_scoped3A = tpu.sem_alloc : memref<!tpu.dma_semaphore, #tpu.memory_space<semaphore_mem>>
      %dma_start3A_89 = arith.constant 0 : i32
      %dma_start3A_90 = tpu.memref_slice %arg7[%mul3A_2, %dma_start3A_89] : memref<10240x128xf32, #tpu.memory_space<vmem_shared>> -> memref<640x128xf32, #tpu.memory_space<vmem_shared>>
      tpu.enqueue_dma source(%arg5 : memref<640x128xf32, #tpu.memory_space<hbm>>) target(%dma_start3A_90 : memref<640x128xf32, #tpu.memory_space<vmem_shared>>) target_semaphore(%run_scoped3A : memref<!tpu.dma_semaphore, #tpu.memory_space<semaphore_mem>>)
      %dma_wait3A_91 = arith.constant 0 : i32
      %dma_wait3A_92 = tpu.memref_slice %arg7[%mul3A_2, %dma_wait3A_91] : memref<10240x128xf32, #tpu.memory_space<vmem_shared>> -> memref<640x128xf32, #tpu.memory_space<vmem_shared>>
      tpu.wait_dma2 semaphore(%run_scoped3A : memref<!tpu.dma_semaphore, #tpu.memory_space<semaphore_mem>>) src(%arg5 : memref<640x128xf32, #tpu.memory_space<hbm>>) dst(%dma_wait3A_92 : memref<640x128xf32, #tpu.memory_space<vmem_shared>>)
      tpu.yield
    }) : () -> ()
    %barrier3A = arith.constant 0 : index
    tpu.barrier barrier_id(%barrier3A)
    "tpu.region"() ({
      %run_scoped3A = tpu.sem_alloc : memref<!tpu.dma_semaphore, #tpu.memory_space<semaphore_mem>>
      %dma_start3A_89 = arith.constant 0 : i32
      %dma_start3A_90 = arith.constant 0 : i32
      %dma_start3A_91 = tpu.memref_slice %arg3[%add3A, %dma_start3A_89, %dma_start3A_90] : memref<32x80x125xi32, #tpu.memory_space<hbm>> -> memref<1x40x125xi32, #tpu.memory_space<hbm>>
      %dma_start3A_92 = tpu.memref_squeeze %dma_start3A_91 : memref<1x40x125xi32, #tpu.memory_space<hbm>> -> memref<40x125xi32, #tpu.memory_space<hbm>>
      %dma_start3A_93 = arith.constant 0 : i32
      %dma_start3A_94 = arith.constant 0 : i32
      %dma_start3A_95 = tpu.memref_slice %arg3[%add3A, %dma_start3A_93, %dma_start3A_94] : memref<32x80x125xi32, #tpu.memory_space<hbm>> -> memref<1x40x125xi32, #tpu.memory_space<hbm>>
      %dma_start3A_96 = tpu.memref_squeeze %dma_start3A_95 : memref<1x40x125xi32, #tpu.memory_space<hbm>> -> memref<40x125xi32, #tpu.memory_space<hbm>>
      tpu.enqueue_dma source(%dma_start3A_96 : memref<40x125xi32, #tpu.memory_space<hbm>>) target(%arg8 : memref<40x125xi32, #tpu.memory_space<vmem>>) target_semaphore(%run_scoped3A : memref<!tpu.dma_semaphore, #tpu.memory_space<semaphore_mem>>)
      %dma_wait3A_97 = arith.constant 0 : i32
      %dma_wait3A_98 = arith.constant 0 : i32
      %dma_wait3A_99 = tpu.memref_slice %arg3[%add3A, %dma_wait3A_97, %dma_wait3A_98] : memref<32x80x125xi32, #tpu.memory_space<hbm>> -> memref<1x40x125xi32, #tpu.memory_space<hbm>>
      %dma_wait3A_100 = tpu.memref_squeeze %dma_wait3A_99 : memref<1x40x125xi32, #tpu.memory_space<hbm>> -> memref<40x125xi32, #tpu.memory_space<hbm>>
      %dma_wait3A_101 = arith.constant 0 : i32
      %dma_wait3A_102 = arith.constant 0 : i32
      %dma_wait3A_103 = tpu.memref_slice %arg3[%add3A, %dma_wait3A_101, %dma_wait3A_102] : memref<32x80x125xi32, #tpu.memory_space<hbm>> -> memref<1x40x125xi32, #tpu.memory_space<hbm>>
      %dma_wait3A_104 = tpu.memref_squeeze %dma_wait3A_103 : memref<1x40x125xi32, #tpu.memory_space<hbm>> -> memref<40x125xi32, #tpu.memory_space<hbm>>
      tpu.wait_dma2 semaphore(%run_scoped3A : memref<!tpu.dma_semaphore, #tpu.memory_space<semaphore_mem>>) src(%dma_wait3A_104 : memref<40x125xi32, #tpu.memory_space<hbm>>) dst(%arg8 : memref<40x125xi32, #tpu.memory_space<vmem>>)
      tpu.yield
    }) : () -> ()
    "tpu.region"() ({
      %run_scoped3A = tpu.sem_alloc : memref<!tpu.dma_semaphore, #tpu.memory_space<semaphore_mem>>
      %dma_start3A_89 = arith.constant 0 : i32
      %dma_start3A_90 = arith.constant 0 : i32
      %dma_start3A_91 = tpu.memref_slice %arg4[%add3A, %dma_start3A_89, %dma_start3A_90] : memref<32x80x125xi32, #tpu.memory_space<hbm>> -> memref<1x40x125xi32, #tpu.memory_space<hbm>>
      %dma_start3A_92 = tpu.memref_squeeze %dma_start3A_91 : memref<1x40x125xi32, #tpu.memory_space<hbm>> -> memref<40x125xi32, #tpu.memory_space<hbm>>
      %dma_start3A_93 = arith.constant 0 : i32
      %dma_start3A_94 = arith.constant 0 : i32
      %dma_start3A_95 = tpu.memref_slice %arg4[%add3A, %dma_start3A_93, %dma_start3A_94] : memref<32x80x125xi32, #tpu.memory_space<hbm>> -> memref<1x40x125xi32, #tpu.memory_space<hbm>>
      %dma_start3A_96 = tpu.memref_squeeze %dma_start3A_95 : memref<1x40x125xi32, #tpu.memory_space<hbm>> -> memref<40x125xi32, #tpu.memory_space<hbm>>
      tpu.enqueue_dma source(%dma_start3A_96 : memref<40x125xi32, #tpu.memory_space<hbm>>) target(%arg9 : memref<40x125xi32, #tpu.memory_space<vmem>>) target_semaphore(%run_scoped3A : memref<!tpu.dma_semaphore, #tpu.memory_space<semaphore_mem>>)
      %dma_wait3A_97 = arith.constant 0 : i32
      %dma_wait3A_98 = arith.constant 0 : i32
      %dma_wait3A_99 = tpu.memref_slice %arg4[%add3A, %dma_wait3A_97, %dma_wait3A_98] : memref<32x80x125xi32, #tpu.memory_space<hbm>> -> memref<1x40x125xi32, #tpu.memory_space<hbm>>
      %dma_wait3A_100 = tpu.memref_squeeze %dma_wait3A_99 : memref<1x40x125xi32, #tpu.memory_space<hbm>> -> memref<40x125xi32, #tpu.memory_space<hbm>>
      %dma_wait3A_101 = arith.constant 0 : i32
      %dma_wait3A_102 = arith.constant 0 : i32
      %dma_wait3A_103 = tpu.memref_slice %arg4[%add3A, %dma_wait3A_101, %dma_wait3A_102] : memref<32x80x125xi32, #tpu.memory_space<hbm>> -> memref<1x40x125xi32, #tpu.memory_space<hbm>>
      %dma_wait3A_104 = tpu.memref_squeeze %dma_wait3A_103 : memref<1x40x125xi32, #tpu.memory_space<hbm>> -> memref<40x125xi32, #tpu.memory_space<hbm>>
      tpu.wait_dma2 semaphore(%run_scoped3A : memref<!tpu.dma_semaphore, #tpu.memory_space<semaphore_mem>>) src(%dma_wait3A_104 : memref<40x125xi32, #tpu.memory_space<hbm>>) dst(%arg9 : memref<40x125xi32, #tpu.memory_space<vmem>>)
      tpu.yield
    }) : () -> ()
    %dma_start3A = arith.constant 0 : i32
    %dma_start3A_3 = arith.constant 0 : i32
    %dma_start3A_4 = arith.constant 0 : i32
    %dma_start3A_5 = arith.constant 0 : i32
    %dma_start3A_6 = tpu.memref_slice %arg10[%dma_start3A_3, %dma_start3A_4, %dma_start3A_5] : memref<2x125x128xf32, #tpu.memory_space<vmem>> -> memref<1x125x128xf32, #tpu.memory_space<vmem>>
    %dma_start3A_7 = tpu.memref_squeeze %dma_start3A_6 : memref<1x125x128xf32, #tpu.memory_space<vmem>> -> memref<125x128xf32, #tpu.memory_space<vmem>>
    %dma_start3A_8 = arith.constant 0 : i32
    %dma_start3A_9 = tpu.memref_slice %arg8[%dma_start3A, %dma_start3A_8] : memref<40x125xi32, #tpu.memory_space<vmem>> -> memref<1x125xi32, #tpu.memory_space<vmem>>
    %dma_start3A_10 = tpu.memref_squeeze %dma_start3A_9 : memref<1x125xi32, #tpu.memory_space<vmem>> -> memref<125xi32, #tpu.memory_space<vmem>>
    %dma_start3A_11 = arith.constant 0 : i32
    %dma_start3A_12 = arith.constant 0 : i32
    %dma_start3A_13 = tpu.memref_slice %arg2[%dma_start3A_11, %dma_start3A_12] : memref<270000x128xf32, #tpu.memory_space<hbm>> -> memref<270000x128xf32, #tpu.memory_space<hbm>>
    tpu.enqueue_indirect_dma source(%dma_start3A_13 : memref<270000x128xf32, #tpu.memory_space<hbm>>) target(%dma_start3A_7 : memref<125x128xf32, #tpu.memory_space<vmem>>) offsets(%dma_start3A_10 : memref<125xi32, #tpu.memory_space<vmem>>) semaphore(%arg11 : memref<!tpu.dma_semaphore, #tpu.memory_space<semaphore_mem>>)
    %scan3A = arith.constant 0 : i32
    %scan3A_14 = arith.constant 0 : i32
    %scan3A_15 = arith.constant 20 : i32
    %scan3A_16 = arith.addi %scan3A_14, %scan3A_15 : i32
    %scan3A_17 = arith.constant 1 : i32
    scf.for %scan3A_89 = %scan3A_14 to %scan3A_16 step %scan3A_17  : i32 {
      %mul3A_90 = arith.constant 2 : i32
      %mul3A_91 = arith.muli %scan3A_89, %mul3A_90 : i32
      %add3A_92 = arith.constant 0 : i32
      %add3A_93 = arith.addi %mul3A_91, %add3A_92 : i32
      %dma_wait3A_94 = arith.constant 0 : i32
      %dma_wait3A_95 = arith.constant 0 : i32
      %dma_wait3A_96 = arith.constant 0 : i32
      %dma_wait3A_97 = tpu.memref_slice %arg10[%dma_wait3A_94, %dma_wait3A_95, %dma_wait3A_96] : memref<2x125x128xf32, #tpu.memory_space<vmem>> -> memref<1x125x128xf32, #tpu.memory_space<vmem>>
      %dma_wait3A_98 = tpu.memref_squeeze %dma_wait3A_97 : memref<1x125x128xf32, #tpu.memory_space<vmem>> -> memref<125x128xf32, #tpu.memory_space<vmem>>
      %dma_wait3A_99 = arith.constant 0 : i32
      %dma_wait3A_100 = tpu.memref_slice %arg8[%add3A_93, %dma_wait3A_99] : memref<40x125xi32, #tpu.memory_space<vmem>> -> memref<1x125xi32, #tpu.memory_space<vmem>>
      %dma_wait3A_101 = tpu.memref_squeeze %dma_wait3A_100 : memref<1x125xi32, #tpu.memory_space<vmem>> -> memref<125xi32, #tpu.memory_space<vmem>>
      %dma_wait3A_102 = arith.constant 0 : i32
      %dma_wait3A_103 = arith.constant 0 : i32
      %dma_wait3A_104 = tpu.memref_slice %arg2[%dma_wait3A_102, %dma_wait3A_103] : memref<270000x128xf32, #tpu.memory_space<hbm>> -> memref<270000x128xf32, #tpu.memory_space<hbm>>
      tpu.wait_indirect_dma semaphore(%arg11 : memref<!tpu.dma_semaphore, #tpu.memory_space<semaphore_mem>>) src(%dma_wait3A_104 : memref<270000x128xf32, #tpu.memory_space<hbm>>) dst(%dma_wait3A_98 : memref<125x128xf32, #tpu.memory_space<vmem>>)
      %dma_start3A_105 = arith.constant 0 : i32
      %dma_start3A_106 = arith.constant 0 : i32
      %dma_start3A_107 = arith.constant 0 : i32
      %dma_start3A_108 = tpu.memref_slice %arg10[%dma_start3A_105, %dma_start3A_106, %dma_start3A_107] : memref<2x125x128xf32, #tpu.memory_space<vmem>> -> memref<1x125x128xf32, #tpu.memory_space<vmem>>
      %dma_start3A_109 = tpu.memref_squeeze %dma_start3A_108 : memref<1x125x128xf32, #tpu.memory_space<vmem>> -> memref<125x128xf32, #tpu.memory_space<vmem>>
      %dma_start3A_110 = arith.constant 0 : i32
      %dma_start3A_111 = tpu.memref_slice %arg9[%add3A_93, %dma_start3A_110] : memref<40x125xi32, #tpu.memory_space<vmem>> -> memref<1x125xi32, #tpu.memory_space<vmem>>
      %dma_start3A_112 = tpu.memref_squeeze %dma_start3A_111 : memref<1x125xi32, #tpu.memory_space<vmem>> -> memref<125xi32, #tpu.memory_space<vmem>>
      %dma_start3A_113 = arith.constant 0 : i32
      %dma_start3A_114 = arith.constant 0 : i32
      %dma_start3A_115 = tpu.memref_slice %arg7[%dma_start3A_113, %dma_start3A_114] : memref<10240x128xf32, #tpu.memory_space<vmem_shared>> -> memref<10240x128xf32, #tpu.memory_space<vmem_shared>>
      tpu.enqueue_indirect_dma source(%dma_start3A_109 : memref<125x128xf32, #tpu.memory_space<vmem>>) target(%dma_start3A_115 : memref<10240x128xf32, #tpu.memory_space<vmem_shared>>) offsets(%dma_start3A_112 : memref<125xi32, #tpu.memory_space<vmem>>) semaphore(%arg13 : memref<!tpu.dma_semaphore, #tpu.memory_space<semaphore_mem>>) {add = true}
      %add3A_116 = arith.constant 1 : i32
      %add3A_117 = arith.addi %add3A_93, %add3A_116 : i32
      %lt3A = arith.constant 40 : i32
      %lt3A_118 = arith.cmpi slt, %add3A_117, %lt3A : i32
      %convert_element_type3A = arith.extui %lt3A_118 : i1 to i32
      %cond3A = arith.constant 0 : i32
      %cond3A_119 = arith.cmpi ne, %convert_element_type3A, %cond3A : i32
      scf.if %cond3A_119 {
        %ge3A = arith.constant 1 : i32
        %ge3A_153 = arith.cmpi sge, %add3A_93, %ge3A : i32
        %convert_element_type3A_154 = arith.extui %ge3A_153 : i1 to i32
        %cond3A_155 = arith.constant 0 : i32
        %cond3A_156 = arith.cmpi ne, %convert_element_type3A_154, %cond3A_155 : i32
        scf.if %cond3A_156 {
          %sub3A = arith.constant 1 : i32
          %sub3A_170 = arith.subi %add3A_93, %sub3A : i32
          %dma_wait3A_171 = arith.constant 1 : i32
          %dma_wait3A_172 = arith.constant 0 : i32
          %dma_wait3A_173 = arith.constant 0 : i32
          %dma_wait3A_174 = tpu.memref_slice %arg10[%dma_wait3A_171, %dma_wait3A_172, %dma_wait3A_173] : memref<2x125x128xf32, #tpu.memory_space<vmem>> -> memref<1x125x128xf32, #tpu.memory_space<vmem>>
          %dma_wait3A_175 = tpu.memref_squeeze %dma_wait3A_174 : memref<1x125x128xf32, #tpu.memory_space<vmem>> -> memref<125x128xf32, #tpu.memory_space<vmem>>
          %dma_wait3A_176 = arith.constant 0 : i32
          %dma_wait3A_177 = tpu.memref_slice %arg9[%sub3A_170, %dma_wait3A_176] : memref<40x125xi32, #tpu.memory_space<vmem>> -> memref<1x125xi32, #tpu.memory_space<vmem>>
          %dma_wait3A_178 = tpu.memref_squeeze %dma_wait3A_177 : memref<1x125xi32, #tpu.memory_space<vmem>> -> memref<125xi32, #tpu.memory_space<vmem>>
          %dma_wait3A_179 = arith.constant 0 : i32
          %dma_wait3A_180 = arith.constant 0 : i32
          %dma_wait3A_181 = tpu.memref_slice %arg7[%dma_wait3A_179, %dma_wait3A_180] : memref<10240x128xf32, #tpu.memory_space<vmem_shared>> -> memref<10240x128xf32, #tpu.memory_space<vmem_shared>>
          tpu.wait_indirect_dma semaphore(%arg14 : memref<!tpu.dma_semaphore, #tpu.memory_space<semaphore_mem>>) src(%dma_wait3A_175 : memref<125x128xf32, #tpu.memory_space<vmem>>) dst(%dma_wait3A_181 : memref<10240x128xf32, #tpu.memory_space<vmem_shared>>)
        } else {
        }
        %add3A_157 = arith.constant 1 : i32
        %add3A_158 = arith.addi %add3A_93, %add3A_157 : i32
        %dma_start3A_159 = arith.constant 1 : i32
        %dma_start3A_160 = arith.constant 0 : i32
        %dma_start3A_161 = arith.constant 0 : i32
        %dma_start3A_162 = tpu.memref_slice %arg10[%dma_start3A_159, %dma_start3A_160, %dma_start3A_161] : memref<2x125x128xf32, #tpu.memory_space<vmem>> -> memref<1x125x128xf32, #tpu.memory_space<vmem>>
        %dma_start3A_163 = tpu.memref_squeeze %dma_start3A_162 : memref<1x125x128xf32, #tpu.memory_space<vmem>> -> memref<125x128xf32, #tpu.memory_space<vmem>>
        %dma_start3A_164 = arith.constant 0 : i32
        %dma_start3A_165 = tpu.memref_slice %arg8[%add3A_158, %dma_start3A_164] : memref<40x125xi32, #tpu.memory_space<vmem>> -> memref<1x125xi32, #tpu.memory_space<vmem>>
        %dma_start3A_166 = tpu.memref_squeeze %dma_start3A_165 : memref<1x125xi32, #tpu.memory_space<vmem>> -> memref<125xi32, #tpu.memory_space<vmem>>
        %dma_start3A_167 = arith.constant 0 : i32
        %dma_start3A_168 = arith.constant 0 : i32
        %dma_start3A_169 = tpu.memref_slice %arg2[%dma_start3A_167, %dma_start3A_168] : memref<270000x128xf32, #tpu.memory_space<hbm>> -> memref<270000x128xf32, #tpu.memory_space<hbm>>
        tpu.enqueue_indirect_dma source(%dma_start3A_169 : memref<270000x128xf32, #tpu.memory_space<hbm>>) target(%dma_start3A_163 : memref<125x128xf32, #tpu.memory_space<vmem>>) offsets(%dma_start3A_166 : memref<125xi32, #tpu.memory_space<vmem>>) semaphore(%arg12 : memref<!tpu.dma_semaphore, #tpu.memory_space<semaphore_mem>>)
      } else {
      }
      %mul3A_120 = arith.constant 2 : i32
      %mul3A_121 = arith.muli %scan3A_89, %mul3A_120 : i32
      %add3A_122 = arith.constant 1 : i32
      %add3A_123 = arith.addi %mul3A_121, %add3A_122 : i32
      %dma_wait3A_124 = arith.constant 1 : i32
      %dma_wait3A_125 = arith.constant 0 : i32
      %dma_wait3A_126 = arith.constant 0 : i32
      %dma_wait3A_127 = tpu.memref_slice %arg10[%dma_wait3A_124, %dma_wait3A_125, %dma_wait3A_126] : memref<2x125x128xf32, #tpu.memory_space<vmem>> -> memref<1x125x128xf32, #tpu.memory_space<vmem>>
      %dma_wait3A_128 = tpu.memref_squeeze %dma_wait3A_127 : memref<1x125x128xf32, #tpu.memory_space<vmem>> -> memref<125x128xf32, #tpu.memory_space<vmem>>
      %dma_wait3A_129 = arith.constant 0 : i32
      %dma_wait3A_130 = tpu.memref_slice %arg8[%add3A_123, %dma_wait3A_129] : memref<40x125xi32, #tpu.memory_space<vmem>> -> memref<1x125xi32, #tpu.memory_space<vmem>>
      %dma_wait3A_131 = tpu.memref_squeeze %dma_wait3A_130 : memref<1x125xi32, #tpu.memory_space<vmem>> -> memref<125xi32, #tpu.memory_space<vmem>>
      %dma_wait3A_132 = arith.constant 0 : i32
      %dma_wait3A_133 = arith.constant 0 : i32
      %dma_wait3A_134 = tpu.memref_slice %arg2[%dma_wait3A_132, %dma_wait3A_133] : memref<270000x128xf32, #tpu.memory_space<hbm>> -> memref<270000x128xf32, #tpu.memory_space<hbm>>
      tpu.wait_indirect_dma semaphore(%arg12 : memref<!tpu.dma_semaphore, #tpu.memory_space<semaphore_mem>>) src(%dma_wait3A_134 : memref<270000x128xf32, #tpu.memory_space<hbm>>) dst(%dma_wait3A_128 : memref<125x128xf32, #tpu.memory_space<vmem>>)
      %dma_start3A_135 = arith.constant 1 : i32
      %dma_start3A_136 = arith.constant 0 : i32
      %dma_start3A_137 = arith.constant 0 : i32
      %dma_start3A_138 = tpu.memref_slice %arg10[%dma_start3A_135, %dma_start3A_136, %dma_start3A_137] : memref<2x125x128xf32, #tpu.memory_space<vmem>> -> memref<1x125x128xf32, #tpu.memory_space<vmem>>
      %dma_start3A_139 = tpu.memref_squeeze %dma_start3A_138 : memref<1x125x128xf32, #tpu.memory_space<vmem>> -> memref<125x128xf32, #tpu.memory_space<vmem>>
      %dma_start3A_140 = arith.constant 0 : i32
      %dma_start3A_141 = tpu.memref_slice %arg9[%add3A_123, %dma_start3A_140] : memref<40x125xi32, #tpu.memory_space<vmem>> -> memref<1x125xi32, #tpu.memory_space<vmem>>
      %dma_start3A_142 = tpu.memref_squeeze %dma_start3A_141 : memref<1x125xi32, #tpu.memory_space<vmem>> -> memref<125xi32, #tpu.memory_space<vmem>>
      %dma_start3A_143 = arith.constant 0 : i32
      %dma_start3A_144 = arith.constant 0 : i32
      %dma_start3A_145 = tpu.memref_slice %arg7[%dma_start3A_143, %dma_start3A_144] : memref<10240x128xf32, #tpu.memory_space<vmem_shared>> -> memref<10240x128xf32, #tpu.memory_space<vmem_shared>>
      tpu.enqueue_indirect_dma source(%dma_start3A_139 : memref<125x128xf32, #tpu.memory_space<vmem>>) target(%dma_start3A_145 : memref<10240x128xf32, #tpu.memory_space<vmem_shared>>) offsets(%dma_start3A_142 : memref<125xi32, #tpu.memory_space<vmem>>) semaphore(%arg14 : memref<!tpu.dma_semaphore, #tpu.memory_space<semaphore_mem>>) {add = true}
      %add3A_146 = arith.constant 1 : i32
      %add3A_147 = arith.addi %add3A_123, %add3A_146 : i32
      %lt3A_148 = arith.constant 40 : i32
      %lt3A_149 = arith.cmpi slt, %add3A_147, %lt3A_148 : i32
      %convert_element_type3A_150 = arith.extui %lt3A_149 : i1 to i32
      %cond3A_151 = arith.constant 0 : i32
      %cond3A_152 = arith.cmpi ne, %convert_element_type3A_150, %cond3A_151 : i32
      scf.if %cond3A_152 {
        %ge3A = arith.constant 1 : i32
        %ge3A_153 = arith.cmpi sge, %add3A_123, %ge3A : i32
        %convert_element_type3A_154 = arith.extui %ge3A_153 : i1 to i32
        %cond3A_155 = arith.constant 0 : i32
        %cond3A_156 = arith.cmpi ne, %convert_element_type3A_154, %cond3A_155 : i32
        scf.if %cond3A_156 {
          %sub3A = arith.constant 1 : i32
          %sub3A_170 = arith.subi %add3A_123, %sub3A : i32
          %dma_wait3A_171 = arith.constant 0 : i32
          %dma_wait3A_172 = arith.constant 0 : i32
          %dma_wait3A_173 = arith.constant 0 : i32
          %dma_wait3A_174 = tpu.memref_slice %arg10[%dma_wait3A_171, %dma_wait3A_172, %dma_wait3A_173] : memref<2x125x128xf32, #tpu.memory_space<vmem>> -> memref<1x125x128xf32, #tpu.memory_space<vmem>>
          %dma_wait3A_175 = tpu.memref_squeeze %dma_wait3A_174 : memref<1x125x128xf32, #tpu.memory_space<vmem>> -> memref<125x128xf32, #tpu.memory_space<vmem>>
          %dma_wait3A_176 = arith.constant 0 : i32
          %dma_wait3A_177 = tpu.memref_slice %arg9[%sub3A_170, %dma_wait3A_176] : memref<40x125xi32, #tpu.memory_space<vmem>> -> memref<1x125xi32, #tpu.memory_space<vmem>>
          %dma_wait3A_178 = tpu.memref_squeeze %dma_wait3A_177 : memref<1x125xi32, #tpu.memory_space<vmem>> -> memref<125xi32, #tpu.memory_space<vmem>>
          %dma_wait3A_179 = arith.constant 0 : i32
          %dma_wait3A_180 = arith.constant 0 : i32
          %dma_wait3A_181 = tpu.memref_slice %arg7[%dma_wait3A_179, %dma_wait3A_180] : memref<10240x128xf32, #tpu.memory_space<vmem_shared>> -> memref<10240x128xf32, #tpu.memory_space<vmem_shared>>
          tpu.wait_indirect_dma semaphore(%arg13 : memref<!tpu.dma_semaphore, #tpu.memory_space<semaphore_mem>>) src(%dma_wait3A_175 : memref<125x128xf32, #tpu.memory_space<vmem>>) dst(%dma_wait3A_181 : memref<10240x128xf32, #tpu.memory_space<vmem_shared>>)
        } else {
        }
        %add3A_157 = arith.constant 1 : i32
        %add3A_158 = arith.addi %add3A_123, %add3A_157 : i32
        %dma_start3A_159 = arith.constant 0 : i32
        %dma_start3A_160 = arith.constant 0 : i32
        %dma_start3A_161 = arith.constant 0 : i32
        %dma_start3A_162 = tpu.memref_slice %arg10[%dma_start3A_159, %dma_start3A_160, %dma_start3A_161] : memref<2x125x128xf32, #tpu.memory_space<vmem>> -> memref<1x125x128xf32, #tpu.memory_space<vmem>>
        %dma_start3A_163 = tpu.memref_squeeze %dma_start3A_162 : memref<1x125x128xf32, #tpu.memory_space<vmem>> -> memref<125x128xf32, #tpu.memory_space<vmem>>
        %dma_start3A_164 = arith.constant 0 : i32
        %dma_start3A_165 = tpu.memref_slice %arg8[%add3A_158, %dma_start3A_164] : memref<40x125xi32, #tpu.memory_space<vmem>> -> memref<1x125xi32, #tpu.memory_space<vmem>>
        %dma_start3A_166 = tpu.memref_squeeze %dma_start3A_165 : memref<1x125xi32, #tpu.memory_space<vmem>> -> memref<125xi32, #tpu.memory_space<vmem>>
        %dma_start3A_167 = arith.constant 0 : i32
        %dma_start3A_168 = arith.constant 0 : i32
        %dma_start3A_169 = tpu.memref_slice %arg2[%dma_start3A_167, %dma_start3A_168] : memref<270000x128xf32, #tpu.memory_space<hbm>> -> memref<270000x128xf32, #tpu.memory_space<hbm>>
        tpu.enqueue_indirect_dma source(%dma_start3A_169 : memref<270000x128xf32, #tpu.memory_space<hbm>>) target(%dma_start3A_163 : memref<125x128xf32, #tpu.memory_space<vmem>>) offsets(%dma_start3A_166 : memref<125xi32, #tpu.memory_space<vmem>>) semaphore(%arg11 : memref<!tpu.dma_semaphore, #tpu.memory_space<semaphore_mem>>)
      } else {
      }
    }
    %scan3A_18 = arith.constant 20 : i32
    %dma_wait3A = arith.constant 0 : i32
    %dma_wait3A_19 = arith.constant 38 : i32
    %dma_wait3A_20 = arith.constant 0 : i32
    %dma_wait3A_21 = arith.constant 0 : i32
    %dma_wait3A_22 = tpu.memref_slice %arg10[%dma_wait3A, %dma_wait3A_20, %dma_wait3A_21] : memref<2x125x128xf32, #tpu.memory_space<vmem>> -> memref<1x125x128xf32, #tpu.memory_space<vmem>>
    %dma_wait3A_23 = tpu.memref_squeeze %dma_wait3A_22 : memref<1x125x128xf32, #tpu.memory_space<vmem>> -> memref<125x128xf32, #tpu.memory_space<vmem>>
    %dma_wait3A_24 = arith.constant 0 : i32
    %dma_wait3A_25 = tpu.memref_slice %arg9[%dma_wait3A_19, %dma_wait3A_24] : memref<40x125xi32, #tpu.memory_space<vmem>> -> memref<1x125xi32, #tpu.memory_space<vmem>>
    %dma_wait3A_26 = tpu.memref_squeeze %dma_wait3A_25 : memref<1x125xi32, #tpu.memory_space<vmem>> -> memref<125xi32, #tpu.memory_space<vmem>>
    %dma_wait3A_27 = arith.constant 0 : i32
    %dma_wait3A_28 = arith.constant 0 : i32
    %dma_wait3A_29 = tpu.memref_slice %arg7[%dma_wait3A_27, %dma_wait3A_28] : memref<10240x128xf32, #tpu.memory_space<vmem_shared>> -> memref<10240x128xf32, #tpu.memory_space<vmem_shared>>
    tpu.wait_indirect_dma semaphore(%arg13 : memref<!tpu.dma_semaphore, #tpu.memory_space<semaphore_mem>>) src(%dma_wait3A_23 : memref<125x128xf32, #tpu.memory_space<vmem>>) dst(%dma_wait3A_29 : memref<10240x128xf32, #tpu.memory_space<vmem_shared>>)
    %dma_wait3A_30 = arith.constant 1 : i32
    %dma_wait3A_31 = arith.constant 39 : i32
    %dma_wait3A_32 = arith.constant 0 : i32
    %dma_wait3A_33 = arith.constant 0 : i32
    %dma_wait3A_34 = tpu.memref_slice %arg10[%dma_wait3A_30, %dma_wait3A_32, %dma_wait3A_33] : memref<2x125x128xf32, #tpu.memory_space<vmem>> -> memref<1x125x128xf32, #tpu.memory_space<vmem>>
    %dma_wait3A_35 = tpu.memref_squeeze %dma_wait3A_34 : memref<1x125x128xf32, #tpu.memory_space<vmem>> -> memref<125x128xf32, #tpu.memory_space<vmem>>
    %dma_wait3A_36 = arith.constant 0 : i32
    %dma_wait3A_37 = tpu.memref_slice %arg9[%dma_wait3A_31, %dma_wait3A_36] : memref<40x125xi32, #tpu.memory_space<vmem>> -> memref<1x125xi32, #tpu.memory_space<vmem>>
    %dma_wait3A_38 = tpu.memref_squeeze %dma_wait3A_37 : memref<1x125xi32, #tpu.memory_space<vmem>> -> memref<125xi32, #tpu.memory_space<vmem>>
    %dma_wait3A_39 = arith.constant 0 : i32
    %dma_wait3A_40 = arith.constant 0 : i32
    %dma_wait3A_41 = tpu.memref_slice %arg7[%dma_wait3A_39, %dma_wait3A_40] : memref<10240x128xf32, #tpu.memory_space<vmem_shared>> -> memref<10240x128xf32, #tpu.memory_space<vmem_shared>>
    tpu.wait_indirect_dma semaphore(%arg14 : memref<!tpu.dma_semaphore, #tpu.memory_space<semaphore_mem>>) src(%dma_wait3A_35 : memref<125x128xf32, #tpu.memory_space<vmem>>) dst(%dma_wait3A_41 : memref<10240x128xf32, #tpu.memory_space<vmem_shared>>)
    "tpu.region"() ({
      %run_scoped3A = tpu.sem_alloc : memref<!tpu.dma_semaphore, #tpu.memory_space<semaphore_mem>>
      %dma_start3A_89 = arith.constant 40 : i32
      %dma_start3A_90 = arith.constant 0 : i32
      %dma_start3A_91 = tpu.memref_slice %arg3[%add3A, %dma_start3A_89, %dma_start3A_90] : memref<32x80x125xi32, #tpu.memory_space<hbm>> -> memref<1x40x125xi32, #tpu.memory_space<hbm>>
      %dma_start3A_92 = tpu.memref_squeeze %dma_start3A_91 : memref<1x40x125xi32, #tpu.memory_space<hbm>> -> memref<40x125xi32, #tpu.memory_space<hbm>>
      %dma_start3A_93 = arith.constant 40 : i32
      %dma_start3A_94 = arith.constant 0 : i32
      %dma_start3A_95 = tpu.memref_slice %arg3[%add3A, %dma_start3A_93, %dma_start3A_94] : memref<32x80x125xi32, #tpu.memory_space<hbm>> -> memref<1x40x125xi32, #tpu.memory_space<hbm>>
      %dma_start3A_96 = tpu.memref_squeeze %dma_start3A_95 : memref<1x40x125xi32, #tpu.memory_space<hbm>> -> memref<40x125xi32, #tpu.memory_space<hbm>>
      tpu.enqueue_dma source(%dma_start3A_96 : memref<40x125xi32, #tpu.memory_space<hbm>>) target(%arg8 : memref<40x125xi32, #tpu.memory_space<vmem>>) target_semaphore(%run_scoped3A : memref<!tpu.dma_semaphore, #tpu.memory_space<semaphore_mem>>)
      %dma_wait3A_97 = arith.constant 40 : i32
      %dma_wait3A_98 = arith.constant 0 : i32
      %dma_wait3A_99 = tpu.memref_slice %arg3[%add3A, %dma_wait3A_97, %dma_wait3A_98] : memref<32x80x125xi32, #tpu.memory_space<hbm>> -> memref<1x40x125xi32, #tpu.memory_space<hbm>>
      %dma_wait3A_100 = tpu.memref_squeeze %dma_wait3A_99 : memref<1x40x125xi32, #tpu.memory_space<hbm>> -> memref<40x125xi32, #tpu.memory_space<hbm>>
      %dma_wait3A_101 = arith.constant 40 : i32
      %dma_wait3A_102 = arith.constant 0 : i32
      %dma_wait3A_103 = tpu.memref_slice %arg3[%add3A, %dma_wait3A_101, %dma_wait3A_102] : memref<32x80x125xi32, #tpu.memory_space<hbm>> -> memref<1x40x125xi32, #tpu.memory_space<hbm>>
      %dma_wait3A_104 = tpu.memref_squeeze %dma_wait3A_103 : memref<1x40x125xi32, #tpu.memory_space<hbm>> -> memref<40x125xi32, #tpu.memory_space<hbm>>
      tpu.wait_dma2 semaphore(%run_scoped3A : memref<!tpu.dma_semaphore, #tpu.memory_space<semaphore_mem>>) src(%dma_wait3A_104 : memref<40x125xi32, #tpu.memory_space<hbm>>) dst(%arg8 : memref<40x125xi32, #tpu.memory_space<vmem>>)
      tpu.yield
    }) : () -> ()
    "tpu.region"() ({
      %run_scoped3A = tpu.sem_alloc : memref<!tpu.dma_semaphore, #tpu.memory_space<semaphore_mem>>
      %dma_start3A_89 = arith.constant 40 : i32
      %dma_start3A_90 = arith.constant 0 : i32
      %dma_start3A_91 = tpu.memref_slice %arg4[%add3A, %dma_start3A_89, %dma_start3A_90] : memref<32x80x125xi32, #tpu.memory_space<hbm>> -> memref<1x40x125xi32, #tpu.memory_space<hbm>>
      %dma_start3A_92 = tpu.memref_squeeze %dma_start3A_91 : memref<1x40x125xi32, #tpu.memory_space<hbm>> -> memref<40x125xi32, #tpu.memory_space<hbm>>
      %dma_start3A_93 = arith.constant 40 : i32
      %dma_start3A_94 = arith.constant 0 : i32
      %dma_start3A_95 = tpu.memref_slice %arg4[%add3A, %dma_start3A_93, %dma_start3A_94] : memref<32x80x125xi32, #tpu.memory_space<hbm>> -> memref<1x40x125xi32, #tpu.memory_space<hbm>>
      %dma_start3A_96 = tpu.memref_squeeze %dma_start3A_95 : memref<1x40x125xi32, #tpu.memory_space<hbm>> -> memref<40x125xi32, #tpu.memory_space<hbm>>
      tpu.enqueue_dma source(%dma_start3A_96 : memref<40x125xi32, #tpu.memory_space<hbm>>) target(%arg9 : memref<40x125xi32, #tpu.memory_space<vmem>>) target_semaphore(%run_scoped3A : memref<!tpu.dma_semaphore, #tpu.memory_space<semaphore_mem>>)
      %dma_wait3A_97 = arith.constant 40 : i32
      %dma_wait3A_98 = arith.constant 0 : i32
      %dma_wait3A_99 = tpu.memref_slice %arg4[%add3A, %dma_wait3A_97, %dma_wait3A_98] : memref<32x80x125xi32, #tpu.memory_space<hbm>> -> memref<1x40x125xi32, #tpu.memory_space<hbm>>
      %dma_wait3A_100 = tpu.memref_squeeze %dma_wait3A_99 : memref<1x40x125xi32, #tpu.memory_space<hbm>> -> memref<40x125xi32, #tpu.memory_space<hbm>>
      %dma_wait3A_101 = arith.constant 40 : i32
      %dma_wait3A_102 = arith.constant 0 : i32
      %dma_wait3A_103 = tpu.memref_slice %arg4[%add3A, %dma_wait3A_101, %dma_wait3A_102] : memref<32x80x125xi32, #tpu.memory_space<hbm>> -> memref<1x40x125xi32, #tpu.memory_space<hbm>>
      %dma_wait3A_104 = tpu.memref_squeeze %dma_wait3A_103 : memref<1x40x125xi32, #tpu.memory_space<hbm>> -> memref<40x125xi32, #tpu.memory_space<hbm>>
      tpu.wait_dma2 semaphore(%run_scoped3A : memref<!tpu.dma_semaphore, #tpu.memory_space<semaphore_mem>>) src(%dma_wait3A_104 : memref<40x125xi32, #tpu.memory_space<hbm>>) dst(%arg9 : memref<40x125xi32, #tpu.memory_space<vmem>>)
      tpu.yield
    }) : () -> ()
    %dma_start3A_42 = arith.constant 0 : i32
    %dma_start3A_43 = arith.constant 0 : i32
    %dma_start3A_44 = arith.constant 0 : i32
    %dma_start3A_45 = arith.constant 0 : i32
    %dma_start3A_46 = tpu.memref_slice %arg10[%dma_start3A_43, %dma_start3A_44, %dma_start3A_45] : memref<2x125x128xf32, #tpu.memory_space<vmem>> -> memref<1x125x128xf32, #tpu.memory_space<vmem>>
    %dma_start3A_47 = tpu.memref_squeeze %dma_start3A_46 : memref<1x125x128xf32, #tpu.memory_space<vmem>> -> memref<125x128xf32, #tpu.memory_space<vmem>>
    %dma_start3A_48 = arith.constant 0 : i32
    %dma_start3A_49 = tpu.memref_slice %arg8[%dma_start3A_42, %dma_start3A_48] : memref<40x125xi32, #tpu.memory_space<vmem>> -> memref<1x125xi32, #tpu.memory_space<vmem>>
    %dma_start3A_50 = tpu.memref_squeeze %dma_start3A_49 : memref<1x125xi32, #tpu.memory_space<vmem>> -> memref<125xi32, #tpu.memory_space<vmem>>
    %dma_start3A_51 = arith.constant 0 : i32
    %dma_start3A_52 = arith.constant 0 : i32
    %dma_start3A_53 = tpu.memref_slice %arg2[%dma_start3A_51, %dma_start3A_52] : memref<270000x128xf32, #tpu.memory_space<hbm>> -> memref<270000x128xf32, #tpu.memory_space<hbm>>
    tpu.enqueue_indirect_dma source(%dma_start3A_53 : memref<270000x128xf32, #tpu.memory_space<hbm>>) target(%dma_start3A_47 : memref<125x128xf32, #tpu.memory_space<vmem>>) offsets(%dma_start3A_50 : memref<125xi32, #tpu.memory_space<vmem>>) semaphore(%arg11 : memref<!tpu.dma_semaphore, #tpu.memory_space<semaphore_mem>>)
    %scan3A_54 = arith.constant 0 : i32
    %scan3A_55 = arith.constant 0 : i32
    %scan3A_56 = arith.constant 20 : i32
    %scan3A_57 = arith.addi %scan3A_55, %scan3A_56 : i32
    %scan3A_58 = arith.constant 1 : i32
    scf.for %scan3A_89 = %scan3A_55 to %scan3A_57 step %scan3A_58  : i32 {
      %mul3A_90 = arith.constant 2 : i32
      %mul3A_91 = arith.muli %scan3A_89, %mul3A_90 : i32
      %add3A_92 = arith.constant 0 : i32
      %add3A_93 = arith.addi %mul3A_91, %add3A_92 : i32
      %dma_wait3A_94 = arith.constant 0 : i32
      %dma_wait3A_95 = arith.constant 0 : i32
      %dma_wait3A_96 = arith.constant 0 : i32
      %dma_wait3A_97 = tpu.memref_slice %arg10[%dma_wait3A_94, %dma_wait3A_95, %dma_wait3A_96] : memref<2x125x128xf32, #tpu.memory_space<vmem>> -> memref<1x125x128xf32, #tpu.memory_space<vmem>>
      %dma_wait3A_98 = tpu.memref_squeeze %dma_wait3A_97 : memref<1x125x128xf32, #tpu.memory_space<vmem>> -> memref<125x128xf32, #tpu.memory_space<vmem>>
      %dma_wait3A_99 = arith.constant 0 : i32
      %dma_wait3A_100 = tpu.memref_slice %arg8[%add3A_93, %dma_wait3A_99] : memref<40x125xi32, #tpu.memory_space<vmem>> -> memref<1x125xi32, #tpu.memory_space<vmem>>
      %dma_wait3A_101 = tpu.memref_squeeze %dma_wait3A_100 : memref<1x125xi32, #tpu.memory_space<vmem>> -> memref<125xi32, #tpu.memory_space<vmem>>
      %dma_wait3A_102 = arith.constant 0 : i32
      %dma_wait3A_103 = arith.constant 0 : i32
      %dma_wait3A_104 = tpu.memref_slice %arg2[%dma_wait3A_102, %dma_wait3A_103] : memref<270000x128xf32, #tpu.memory_space<hbm>> -> memref<270000x128xf32, #tpu.memory_space<hbm>>
      tpu.wait_indirect_dma semaphore(%arg11 : memref<!tpu.dma_semaphore, #tpu.memory_space<semaphore_mem>>) src(%dma_wait3A_104 : memref<270000x128xf32, #tpu.memory_space<hbm>>) dst(%dma_wait3A_98 : memref<125x128xf32, #tpu.memory_space<vmem>>)
      %dma_start3A_105 = arith.constant 0 : i32
      %dma_start3A_106 = arith.constant 0 : i32
      %dma_start3A_107 = arith.constant 0 : i32
      %dma_start3A_108 = tpu.memref_slice %arg10[%dma_start3A_105, %dma_start3A_106, %dma_start3A_107] : memref<2x125x128xf32, #tpu.memory_space<vmem>> -> memref<1x125x128xf32, #tpu.memory_space<vmem>>
      %dma_start3A_109 = tpu.memref_squeeze %dma_start3A_108 : memref<1x125x128xf32, #tpu.memory_space<vmem>> -> memref<125x128xf32, #tpu.memory_space<vmem>>
      %dma_start3A_110 = arith.constant 0 : i32
      %dma_start3A_111 = tpu.memref_slice %arg9[%add3A_93, %dma_start3A_110] : memref<40x125xi32, #tpu.memory_space<vmem>> -> memref<1x125xi32, #tpu.memory_space<vmem>>
      %dma_start3A_112 = tpu.memref_squeeze %dma_start3A_111 : memref<1x125xi32, #tpu.memory_space<vmem>> -> memref<125xi32, #tpu.memory_space<vmem>>
      %dma_start3A_113 = arith.constant 0 : i32
      %dma_start3A_114 = arith.constant 0 : i32
      %dma_start3A_115 = tpu.memref_slice %arg7[%dma_start3A_113, %dma_start3A_114] : memref<10240x128xf32, #tpu.memory_space<vmem_shared>> -> memref<10240x128xf32, #tpu.memory_space<vmem_shared>>
      tpu.enqueue_indirect_dma source(%dma_start3A_109 : memref<125x128xf32, #tpu.memory_space<vmem>>) target(%dma_start3A_115 : memref<10240x128xf32, #tpu.memory_space<vmem_shared>>) offsets(%dma_start3A_112 : memref<125xi32, #tpu.memory_space<vmem>>) semaphore(%arg13 : memref<!tpu.dma_semaphore, #tpu.memory_space<semaphore_mem>>) {add = true}
      %add3A_116 = arith.constant 1 : i32
      %add3A_117 = arith.addi %add3A_93, %add3A_116 : i32
      %lt3A = arith.constant 40 : i32
      %lt3A_118 = arith.cmpi slt, %add3A_117, %lt3A : i32
      %convert_element_type3A = arith.extui %lt3A_118 : i1 to i32
      %cond3A = arith.constant 0 : i32
      %cond3A_119 = arith.cmpi ne, %convert_element_type3A, %cond3A : i32
      scf.if %cond3A_119 {
        %ge3A = arith.constant 1 : i32
        %ge3A_153 = arith.cmpi sge, %add3A_93, %ge3A : i32
        %convert_element_type3A_154 = arith.extui %ge3A_153 : i1 to i32
        %cond3A_155 = arith.constant 0 : i32
        %cond3A_156 = arith.cmpi ne, %convert_element_type3A_154, %cond3A_155 : i32
        scf.if %cond3A_156 {
          %sub3A = arith.constant 1 : i32
          %sub3A_170 = arith.subi %add3A_93, %sub3A : i32
          %dma_wait3A_171 = arith.constant 1 : i32
          %dma_wait3A_172 = arith.constant 0 : i32
          %dma_wait3A_173 = arith.constant 0 : i32
          %dma_wait3A_174 = tpu.memref_slice %arg10[%dma_wait3A_171, %dma_wait3A_172, %dma_wait3A_173] : memref<2x125x128xf32, #tpu.memory_space<vmem>> -> memref<1x125x128xf32, #tpu.memory_space<vmem>>
          %dma_wait3A_175 = tpu.memref_squeeze %dma_wait3A_174 : memref<1x125x128xf32, #tpu.memory_space<vmem>> -> memref<125x128xf32, #tpu.memory_space<vmem>>
          %dma_wait3A_176 = arith.constant 0 : i32
          %dma_wait3A_177 = tpu.memref_slice %arg9[%sub3A_170, %dma_wait3A_176] : memref<40x125xi32, #tpu.memory_space<vmem>> -> memref<1x125xi32, #tpu.memory_space<vmem>>
          %dma_wait3A_178 = tpu.memref_squeeze %dma_wait3A_177 : memref<1x125xi32, #tpu.memory_space<vmem>> -> memref<125xi32, #tpu.memory_space<vmem>>
          %dma_wait3A_179 = arith.constant 0 : i32
          %dma_wait3A_180 = arith.constant 0 : i32
          %dma_wait3A_181 = tpu.memref_slice %arg7[%dma_wait3A_179, %dma_wait3A_180] : memref<10240x128xf32, #tpu.memory_space<vmem_shared>> -> memref<10240x128xf32, #tpu.memory_space<vmem_shared>>
          tpu.wait_indirect_dma semaphore(%arg14 : memref<!tpu.dma_semaphore, #tpu.memory_space<semaphore_mem>>) src(%dma_wait3A_175 : memref<125x128xf32, #tpu.memory_space<vmem>>) dst(%dma_wait3A_181 : memref<10240x128xf32, #tpu.memory_space<vmem_shared>>)
        } else {
        }
        %add3A_157 = arith.constant 1 : i32
        %add3A_158 = arith.addi %add3A_93, %add3A_157 : i32
        %dma_start3A_159 = arith.constant 1 : i32
        %dma_start3A_160 = arith.constant 0 : i32
        %dma_start3A_161 = arith.constant 0 : i32
        %dma_start3A_162 = tpu.memref_slice %arg10[%dma_start3A_159, %dma_start3A_160, %dma_start3A_161] : memref<2x125x128xf32, #tpu.memory_space<vmem>> -> memref<1x125x128xf32, #tpu.memory_space<vmem>>
        %dma_start3A_163 = tpu.memref_squeeze %dma_start3A_162 : memref<1x125x128xf32, #tpu.memory_space<vmem>> -> memref<125x128xf32, #tpu.memory_space<vmem>>
        %dma_start3A_164 = arith.constant 0 : i32
        %dma_start3A_165 = tpu.memref_slice %arg8[%add3A_158, %dma_start3A_164] : memref<40x125xi32, #tpu.memory_space<vmem>> -> memref<1x125xi32, #tpu.memory_space<vmem>>
        %dma_start3A_166 = tpu.memref_squeeze %dma_start3A_165 : memref<1x125xi32, #tpu.memory_space<vmem>> -> memref<125xi32, #tpu.memory_space<vmem>>
        %dma_start3A_167 = arith.constant 0 : i32
        %dma_start3A_168 = arith.constant 0 : i32
        %dma_start3A_169 = tpu.memref_slice %arg2[%dma_start3A_167, %dma_start3A_168] : memref<270000x128xf32, #tpu.memory_space<hbm>> -> memref<270000x128xf32, #tpu.memory_space<hbm>>
        tpu.enqueue_indirect_dma source(%dma_start3A_169 : memref<270000x128xf32, #tpu.memory_space<hbm>>) target(%dma_start3A_163 : memref<125x128xf32, #tpu.memory_space<vmem>>) offsets(%dma_start3A_166 : memref<125xi32, #tpu.memory_space<vmem>>) semaphore(%arg12 : memref<!tpu.dma_semaphore, #tpu.memory_space<semaphore_mem>>)
      } else {
      }
      %mul3A_120 = arith.constant 2 : i32
      %mul3A_121 = arith.muli %scan3A_89, %mul3A_120 : i32
      %add3A_122 = arith.constant 1 : i32
      %add3A_123 = arith.addi %mul3A_121, %add3A_122 : i32
      %dma_wait3A_124 = arith.constant 1 : i32
      %dma_wait3A_125 = arith.constant 0 : i32
      %dma_wait3A_126 = arith.constant 0 : i32
      %dma_wait3A_127 = tpu.memref_slice %arg10[%dma_wait3A_124, %dma_wait3A_125, %dma_wait3A_126] : memref<2x125x128xf32, #tpu.memory_space<vmem>> -> memref<1x125x128xf32, #tpu.memory_space<vmem>>
      %dma_wait3A_128 = tpu.memref_squeeze %dma_wait3A_127 : memref<1x125x128xf32, #tpu.memory_space<vmem>> -> memref<125x128xf32, #tpu.memory_space<vmem>>
      %dma_wait3A_129 = arith.constant 0 : i32
      %dma_wait3A_130 = tpu.memref_slice %arg8[%add3A_123, %dma_wait3A_129] : memref<40x125xi32, #tpu.memory_space<vmem>> -> memref<1x125xi32, #tpu.memory_space<vmem>>
      %dma_wait3A_131 = tpu.memref_squeeze %dma_wait3A_130 : memref<1x125xi32, #tpu.memory_space<vmem>> -> memref<125xi32, #tpu.memory_space<vmem>>
      %dma_wait3A_132 = arith.constant 0 : i32
      %dma_wait3A_133 = arith.constant 0 : i32
      %dma_wait3A_134 = tpu.memref_slice %arg2[%dma_wait3A_132, %dma_wait3A_133] : memref<270000x128xf32, #tpu.memory_space<hbm>> -> memref<270000x128xf32, #tpu.memory_space<hbm>>
      tpu.wait_indirect_dma semaphore(%arg12 : memref<!tpu.dma_semaphore, #tpu.memory_space<semaphore_mem>>) src(%dma_wait3A_134 : memref<270000x128xf32, #tpu.memory_space<hbm>>) dst(%dma_wait3A_128 : memref<125x128xf32, #tpu.memory_space<vmem>>)
      %dma_start3A_135 = arith.constant 1 : i32
      %dma_start3A_136 = arith.constant 0 : i32
      %dma_start3A_137 = arith.constant 0 : i32
      %dma_start3A_138 = tpu.memref_slice %arg10[%dma_start3A_135, %dma_start3A_136, %dma_start3A_137] : memref<2x125x128xf32, #tpu.memory_space<vmem>> -> memref<1x125x128xf32, #tpu.memory_space<vmem>>
      %dma_start3A_139 = tpu.memref_squeeze %dma_start3A_138 : memref<1x125x128xf32, #tpu.memory_space<vmem>> -> memref<125x128xf32, #tpu.memory_space<vmem>>
      %dma_start3A_140 = arith.constant 0 : i32
      %dma_start3A_141 = tpu.memref_slice %arg9[%add3A_123, %dma_start3A_140] : memref<40x125xi32, #tpu.memory_space<vmem>> -> memref<1x125xi32, #tpu.memory_space<vmem>>
      %dma_start3A_142 = tpu.memref_squeeze %dma_start3A_141 : memref<1x125xi32, #tpu.memory_space<vmem>> -> memref<125xi32, #tpu.memory_space<vmem>>
      %dma_start3A_143 = arith.constant 0 : i32
      %dma_start3A_144 = arith.constant 0 : i32
      %dma_start3A_145 = tpu.memref_slice %arg7[%dma_start3A_143, %dma_start3A_144] : memref<10240x128xf32, #tpu.memory_space<vmem_shared>> -> memref<10240x128xf32, #tpu.memory_space<vmem_shared>>
      tpu.enqueue_indirect_dma source(%dma_start3A_139 : memref<125x128xf32, #tpu.memory_space<vmem>>) target(%dma_start3A_145 : memref<10240x128xf32, #tpu.memory_space<vmem_shared>>) offsets(%dma_start3A_142 : memref<125xi32, #tpu.memory_space<vmem>>) semaphore(%arg14 : memref<!tpu.dma_semaphore, #tpu.memory_space<semaphore_mem>>) {add = true}
      %add3A_146 = arith.constant 1 : i32
      %add3A_147 = arith.addi %add3A_123, %add3A_146 : i32
      %lt3A_148 = arith.constant 40 : i32
      %lt3A_149 = arith.cmpi slt, %add3A_147, %lt3A_148 : i32
      %convert_element_type3A_150 = arith.extui %lt3A_149 : i1 to i32
      %cond3A_151 = arith.constant 0 : i32
      %cond3A_152 = arith.cmpi ne, %convert_element_type3A_150, %cond3A_151 : i32
      scf.if %cond3A_152 {
        %ge3A = arith.constant 1 : i32
        %ge3A_153 = arith.cmpi sge, %add3A_123, %ge3A : i32
        %convert_element_type3A_154 = arith.extui %ge3A_153 : i1 to i32
        %cond3A_155 = arith.constant 0 : i32
        %cond3A_156 = arith.cmpi ne, %convert_element_type3A_154, %cond3A_155 : i32
        scf.if %cond3A_156 {
          %sub3A = arith.constant 1 : i32
          %sub3A_170 = arith.subi %add3A_123, %sub3A : i32
          %dma_wait3A_171 = arith.constant 0 : i32
          %dma_wait3A_172 = arith.constant 0 : i32
          %dma_wait3A_173 = arith.constant 0 : i32
          %dma_wait3A_174 = tpu.memref_slice %arg10[%dma_wait3A_171, %dma_wait3A_172, %dma_wait3A_173] : memref<2x125x128xf32, #tpu.memory_space<vmem>> -> memref<1x125x128xf32, #tpu.memory_space<vmem>>
          %dma_wait3A_175 = tpu.memref_squeeze %dma_wait3A_174 : memref<1x125x128xf32, #tpu.memory_space<vmem>> -> memref<125x128xf32, #tpu.memory_space<vmem>>
          %dma_wait3A_176 = arith.constant 0 : i32
          %dma_wait3A_177 = tpu.memref_slice %arg9[%sub3A_170, %dma_wait3A_176] : memref<40x125xi32, #tpu.memory_space<vmem>> -> memref<1x125xi32, #tpu.memory_space<vmem>>
          %dma_wait3A_178 = tpu.memref_squeeze %dma_wait3A_177 : memref<1x125xi32, #tpu.memory_space<vmem>> -> memref<125xi32, #tpu.memory_space<vmem>>
          %dma_wait3A_179 = arith.constant 0 : i32
          %dma_wait3A_180 = arith.constant 0 : i32
          %dma_wait3A_181 = tpu.memref_slice %arg7[%dma_wait3A_179, %dma_wait3A_180] : memref<10240x128xf32, #tpu.memory_space<vmem_shared>> -> memref<10240x128xf32, #tpu.memory_space<vmem_shared>>
          tpu.wait_indirect_dma semaphore(%arg13 : memref<!tpu.dma_semaphore, #tpu.memory_space<semaphore_mem>>) src(%dma_wait3A_175 : memref<125x128xf32, #tpu.memory_space<vmem>>) dst(%dma_wait3A_181 : memref<10240x128xf32, #tpu.memory_space<vmem_shared>>)
        } else {
        }
        %add3A_157 = arith.constant 1 : i32
        %add3A_158 = arith.addi %add3A_123, %add3A_157 : i32
        %dma_start3A_159 = arith.constant 0 : i32
        %dma_start3A_160 = arith.constant 0 : i32
        %dma_start3A_161 = arith.constant 0 : i32
        %dma_start3A_162 = tpu.memref_slice %arg10[%dma_start3A_159, %dma_start3A_160, %dma_start3A_161] : memref<2x125x128xf32, #tpu.memory_space<vmem>> -> memref<1x125x128xf32, #tpu.memory_space<vmem>>
        %dma_start3A_163 = tpu.memref_squeeze %dma_start3A_162 : memref<1x125x128xf32, #tpu.memory_space<vmem>> -> memref<125x128xf32, #tpu.memory_space<vmem>>
        %dma_start3A_164 = arith.constant 0 : i32
        %dma_start3A_165 = tpu.memref_slice %arg8[%add3A_158, %dma_start3A_164] : memref<40x125xi32, #tpu.memory_space<vmem>> -> memref<1x125xi32, #tpu.memory_space<vmem>>
        %dma_start3A_166 = tpu.memref_squeeze %dma_start3A_165 : memref<1x125xi32, #tpu.memory_space<vmem>> -> memref<125xi32, #tpu.memory_space<vmem>>
        %dma_start3A_167 = arith.constant 0 : i32
        %dma_start3A_168 = arith.constant 0 : i32
        %dma_start3A_169 = tpu.memref_slice %arg2[%dma_start3A_167, %dma_start3A_168] : memref<270000x128xf32, #tpu.memory_space<hbm>> -> memref<270000x128xf32, #tpu.memory_space<hbm>>
        tpu.enqueue_indirect_dma source(%dma_start3A_169 : memref<270000x128xf32, #tpu.memory_space<hbm>>) target(%dma_start3A_163 : memref<125x128xf32, #tpu.memory_space<vmem>>) offsets(%dma_start3A_166 : memref<125xi32, #tpu.memory_space<vmem>>) semaphore(%arg11 : memref<!tpu.dma_semaphore, #tpu.memory_space<semaphore_mem>>)
      } else {
      }
    }
    %scan3A_59 = arith.constant 20 : i32
    %dma_wait3A_60 = arith.constant 0 : i32
    %dma_wait3A_61 = arith.constant 38 : i32
    %dma_wait3A_62 = arith.constant 0 : i32
    %dma_wait3A_63 = arith.constant 0 : i32
    %dma_wait3A_64 = tpu.memref_slice %arg10[%dma_wait3A_60, %dma_wait3A_62, %dma_wait3A_63] : memref<2x125x128xf32, #tpu.memory_space<vmem>> -> memref<1x125x128xf32, #tpu.memory_space<vmem>>
    %dma_wait3A_65 = tpu.memref_squeeze %dma_wait3A_64 : memref<1x125x128xf32, #tpu.memory_space<vmem>> -> memref<125x128xf32, #tpu.memory_space<vmem>>
    %dma_wait3A_66 = arith.constant 0 : i32
    %dma_wait3A_67 = tpu.memref_slice %arg9[%dma_wait3A_61, %dma_wait3A_66] : memref<40x125xi32, #tpu.memory_space<vmem>> -> memref<1x125xi32, #tpu.memory_space<vmem>>
    %dma_wait3A_68 = tpu.memref_squeeze %dma_wait3A_67 : memref<1x125xi32, #tpu.memory_space<vmem>> -> memref<125xi32, #tpu.memory_space<vmem>>
    %dma_wait3A_69 = arith.constant 0 : i32
    %dma_wait3A_70 = arith.constant 0 : i32
    %dma_wait3A_71 = tpu.memref_slice %arg7[%dma_wait3A_69, %dma_wait3A_70] : memref<10240x128xf32, #tpu.memory_space<vmem_shared>> -> memref<10240x128xf32, #tpu.memory_space<vmem_shared>>
    tpu.wait_indirect_dma semaphore(%arg13 : memref<!tpu.dma_semaphore, #tpu.memory_space<semaphore_mem>>) src(%dma_wait3A_65 : memref<125x128xf32, #tpu.memory_space<vmem>>) dst(%dma_wait3A_71 : memref<10240x128xf32, #tpu.memory_space<vmem_shared>>)
    %dma_wait3A_72 = arith.constant 1 : i32
    %dma_wait3A_73 = arith.constant 39 : i32
    %dma_wait3A_74 = arith.constant 0 : i32
    %dma_wait3A_75 = arith.constant 0 : i32
    %dma_wait3A_76 = tpu.memref_slice %arg10[%dma_wait3A_72, %dma_wait3A_74, %dma_wait3A_75] : memref<2x125x128xf32, #tpu.memory_space<vmem>> -> memref<1x125x128xf32, #tpu.memory_space<vmem>>
    %dma_wait3A_77 = tpu.memref_squeeze %dma_wait3A_76 : memref<1x125x128xf32, #tpu.memory_space<vmem>> -> memref<125x128xf32, #tpu.memory_space<vmem>>
    %dma_wait3A_78 = arith.constant 0 : i32
    %dma_wait3A_79 = tpu.memref_slice %arg9[%dma_wait3A_73, %dma_wait3A_78] : memref<40x125xi32, #tpu.memory_space<vmem>> -> memref<1x125xi32, #tpu.memory_space<vmem>>
    %dma_wait3A_80 = tpu.memref_squeeze %dma_wait3A_79 : memref<1x125xi32, #tpu.memory_space<vmem>> -> memref<125xi32, #tpu.memory_space<vmem>>
    %dma_wait3A_81 = arith.constant 0 : i32
    %dma_wait3A_82 = arith.constant 0 : i32
    %dma_wait3A_83 = tpu.memref_slice %arg7[%dma_wait3A_81, %dma_wait3A_82] : memref<10240x128xf32, #tpu.memory_space<vmem_shared>> -> memref<10240x128xf32, #tpu.memory_space<vmem_shared>>
    tpu.wait_indirect_dma semaphore(%arg14 : memref<!tpu.dma_semaphore, #tpu.memory_space<semaphore_mem>>) src(%dma_wait3A_77 : memref<125x128xf32, #tpu.memory_space<vmem>>) dst(%dma_wait3A_83 : memref<10240x128xf32, #tpu.memory_space<vmem_shared>>)
    %barrier3A_84 = arith.constant 0 : index
    tpu.barrier barrier_id(%barrier3A_84)
    %mul3A_85 = arith.constant 640 : i32
    %mul3A_86 = arith.muli %arg1, %mul3A_85 : i32
    %mul3A_87 = arith.constant 640 : i32
    %mul3A_88 = arith.muli %arg1, %mul3A_87 : i32
    "tpu.region"() ({
      %run_scoped3A = tpu.sem_alloc : memref<!tpu.dma_semaphore, #tpu.memory_space<semaphore_mem>>
      %dma_start3A_89 = arith.constant 0 : i32
      %dma_start3A_90 = tpu.memref_slice %arg6[%arg0, %mul3A_88, %dma_start3A_89] : memref<2x10240x128xf32, #tpu.memory_space<hbm>> -> memref<1x640x128xf32, #tpu.memory_space<hbm>>
      %dma_start3A_91 = tpu.memref_squeeze %dma_start3A_90 : memref<1x640x128xf32, #tpu.memory_space<hbm>> -> memref<640x128xf32, #tpu.memory_space<hbm>>
      %dma_start3A_92 = arith.constant 0 : i32
      %dma_start3A_93 = tpu.memref_slice %arg7[%mul3A_86, %dma_start3A_92] : memref<10240x128xf32, #tpu.memory_space<vmem_shared>> -> memref<640x128xf32, #tpu.memory_space<vmem_shared>>
      tpu.enqueue_dma source(%dma_start3A_93 : memref<640x128xf32, #tpu.memory_space<vmem_shared>>) target(%dma_start3A_91 : memref<640x128xf32, #tpu.memory_space<hbm>>) target_semaphore(%run_scoped3A : memref<!tpu.dma_semaphore, #tpu.memory_space<semaphore_mem>>)
      %dma_wait3A_94 = arith.constant 0 : i32
      %dma_wait3A_95 = tpu.memref_slice %arg6[%arg0, %mul3A_88, %dma_wait3A_94] : memref<2x10240x128xf32, #tpu.memory_space<hbm>> -> memref<1x640x128xf32, #tpu.memory_space<hbm>>
      %dma_wait3A_96 = tpu.memref_squeeze %dma_wait3A_95 : memref<1x640x128xf32, #tpu.memory_space<hbm>> -> memref<640x128xf32, #tpu.memory_space<hbm>>
      %dma_wait3A_97 = arith.constant 0 : i32
      %dma_wait3A_98 = tpu.memref_slice %arg7[%mul3A_86, %dma_wait3A_97] : memref<10240x128xf32, #tpu.memory_space<vmem_shared>> -> memref<640x128xf32, #tpu.memory_space<vmem_shared>>
      tpu.wait_dma2 semaphore(%run_scoped3A : memref<!tpu.dma_semaphore, #tpu.memory_space<semaphore_mem>>) src(%dma_wait3A_98 : memref<640x128xf32, #tpu.memory_space<vmem_shared>>) dst(%dma_wait3A_96 : memref<640x128xf32, #tpu.memory_space<hbm>>)
      tpu.yield
    }) : () -> ()
    return
  }
}

#map = affine_map<(d0, d1) -> (0, 0)>
#map1 = affine_map<(d0, d1) -> (0, 0, 0)>
module attributes {stable_mosaic.version = 14 : i64} {
  func.func @_sc_gather_scatter(%arg0: i32, %arg1: i32, %arg2: memref<270000x128xf32, #tpu.memory_space<hbm>>, %arg3: memref<32x80x125xi32, #tpu.memory_space<hbm>>, %arg4: memref<32x80x125xi32, #tpu.memory_space<hbm>>, %arg5: memref<640x128xf32, #tpu.memory_space<hbm>>, %arg6: memref<2x10240x128xf32, #tpu.memory_space<hbm>>, %arg7: memref<10240x128xf32, #tpu.memory_space<vmem_shared>>, %arg8: memref<40x125xi32, #tpu.memory_space<vmem>>, %arg9: memref<40x125xi32, #tpu.memory_space<vmem>>, %arg10: memref<2x125x128xf32, #tpu.memory_space<vmem>>, %arg11: memref<!tpu.dma_semaphore, #tpu.memory_space<semaphore_mem>>, %arg12: memref<!tpu.dma_semaphore, #tpu.memory_space<semaphore_mem>>, %arg13: memref<!tpu.dma_semaphore, #tpu.memory_space<semaphore_mem>>, %arg14: memref<!tpu.dma_semaphore, #tpu.memory_space<semaphore_mem>>) attributes {dimension_semantics = [#tpu.dimension_semantics<core_parallel>, #tpu.dimension_semantics<subcore_parallel>], iteration_bounds = array<i64: 2, 16>, scalar_prefetch = 0 : i64, scratch_operands = 8 : i64, tpu.core_type = #tpu.core_type<sc_vector_subcore>, window_params = [{transform_indices = #map}, {transform_indices = #map1}, {transform_indices = #map1}, {transform_indices = #map}, {transform_indices = #map1}]} {
    %mul3A = arith.constant 16 : i32
    %mul3A_0 = arith.muli %arg0, %mul3A : i32
    %add3A = arith.addi %mul3A_0, %arg1 : i32
    %mul3A_1 = arith.constant 640 : i32
    %mul3A_2 = arith.muli %arg1, %mul3A_1 : i32
    "tpu.region"() ({
      %run_scoped3A = tpu.sem_alloc : memref<!tpu.dma_semaphore, #tpu.memory_space<semaphore_mem>>
      %dma_start3A_89 = arith.constant 0 : i32
      %dma_start3A_90 = tpu.memref_slice %arg7[%mul3A_2, %dma_start3A_89] : memref<10240x128xf32, #tpu.memory_space<vmem_shared>> -> memref<640x128xf32, #tpu.memory_space<vmem_shared>>
      tpu.enqueue_dma source(%arg5 : memref<640x128xf32, #tpu.memory_space<hbm>>) target(%dma_start3A_90 : memref<640x128xf32, #tpu.memory_space<vmem_shared>>) target_semaphore(%run_scoped3A : memref<!tpu.dma_semaphore, #tpu.memory_space<semaphore_mem>>)
      %dma_wait3A_91 = arith.constant 0 : i32
      %dma_wait3A_92 = tpu.memref_slice %arg7[%mul3A_2, %dma_wait3A_91] : memref<10240x128xf32, #tpu.memory_space<vmem_shared>> -> memref<640x128xf32, #tpu.memory_space<vmem_shared>>
      tpu.wait_dma2 semaphore(%run_scoped3A : memref<!tpu.dma_semaphore, #tpu.memory_space<semaphore_mem>>) src(%arg5 : memref<640x128xf32, #tpu.memory_space<hbm>>) dst(%dma_wait3A_92 : memref<640x128xf32, #tpu.memory_space<vmem_shared>>)
      tpu.yield
    }) : () -> ()
    %barrier3A = arith.constant 0 : index
    tpu.barrier barrier_id(%barrier3A)
    "tpu.region"() ({
      %run_scoped3A = tpu.sem_alloc : memref<!tpu.dma_semaphore, #tpu.memory_space<semaphore_mem>>
      %dma_start3A_89 = arith.constant 0 : i32
      %dma_start3A_90 = arith.constant 0 : i32
      %dma_start3A_91 = tpu.memref_slice %arg3[%add3A, %dma_start3A_89, %dma_start3A_90] : memref<32x80x125xi32, #tpu.memory_space<hbm>> -> memref<1x40x125xi32, #tpu.memory_space<hbm>>
      %dma_start3A_92 = tpu.memref_squeeze %dma_start3A_91 : memref<1x40x125xi32, #tpu.memory_space<hbm>> -> memref<40x125xi32, #tpu.memory_space<hbm>>
      %dma_start3A_93 = arith.constant 0 : i32
      %dma_start3A_94 = arith.constant 0 : i32
      %dma_start3A_95 = tpu.memref_slice %arg3[%add3A, %dma_start3A_93, %dma_start3A_94] : memref<32x80x125xi32, #tpu.memory_space<hbm>> -> memref<1x40x125xi32, #tpu.memory_space<hbm>>
      %dma_start3A_96 = tpu.memref_squeeze %dma_start3A_95 : memref<1x40x125xi32, #tpu.memory_space<hbm>> -> memref<40x125xi32, #tpu.memory_space<hbm>>
      tpu.enqueue_dma source(%dma_start3A_96 : memref<40x125xi32, #tpu.memory_space<hbm>>) target(%arg8 : memref<40x125xi32, #tpu.memory_space<vmem>>) target_semaphore(%run_scoped3A : memref<!tpu.dma_semaphore, #tpu.memory_space<semaphore_mem>>)
      %dma_wait3A_97 = arith.constant 0 : i32
      %dma_wait3A_98 = arith.constant 0 : i32
      %dma_wait3A_99 = tpu.memref_slice %arg3[%add3A, %dma_wait3A_97, %dma_wait3A_98] : memref<32x80x125xi32, #tpu.memory_space<hbm>> -> memref<1x40x125xi32, #tpu.memory_space<hbm>>
      %dma_wait3A_100 = tpu.memref_squeeze %dma_wait3A_99 : memref<1x40x125xi32, #tpu.memory_space<hbm>> -> memref<40x125xi32, #tpu.memory_space<hbm>>
      %dma_wait3A_101 = arith.constant 0 : i32
      %dma_wait3A_102 = arith.constant 0 : i32
      %dma_wait3A_103 = tpu.memref_slice %arg3[%add3A, %dma_wait3A_101, %dma_wait3A_102] : memref<32x80x125xi32, #tpu.memory_space<hbm>> -> memref<1x40x125xi32, #tpu.memory_space<hbm>>
      %dma_wait3A_104 = tpu.memref_squeeze %dma_wait3A_103 : memref<1x40x125xi32, #tpu.memory_space<hbm>> -> memref<40x125xi32, #tpu.memory_space<hbm>>
      tpu.wait_dma2 semaphore(%run_scoped3A : memref<!tpu.dma_semaphore, #tpu.memory_space<semaphore_mem>>) src(%dma_wait3A_104 : memref<40x125xi32, #tpu.memory_space<hbm>>) dst(%arg8 : memref<40x125xi32, #tpu.memory_space<vmem>>)
      tpu.yield
    }) : () -> ()
    "tpu.region"() ({
      %run_scoped3A = tpu.sem_alloc : memref<!tpu.dma_semaphore, #tpu.memory_space<semaphore_mem>>
      %dma_start3A_89 = arith.constant 0 : i32
      %dma_start3A_90 = arith.constant 0 : i32
      %dma_start3A_91 = tpu.memref_slice %arg4[%add3A, %dma_start3A_89, %dma_start3A_90] : memref<32x80x125xi32, #tpu.memory_space<hbm>> -> memref<1x40x125xi32, #tpu.memory_space<hbm>>
      %dma_start3A_92 = tpu.memref_squeeze %dma_start3A_91 : memref<1x40x125xi32, #tpu.memory_space<hbm>> -> memref<40x125xi32, #tpu.memory_space<hbm>>
      %dma_start3A_93 = arith.constant 0 : i32
      %dma_start3A_94 = arith.constant 0 : i32
      %dma_start3A_95 = tpu.memref_slice %arg4[%add3A, %dma_start3A_93, %dma_start3A_94] : memref<32x80x125xi32, #tpu.memory_space<hbm>> -> memref<1x40x125xi32, #tpu.memory_space<hbm>>
      %dma_start3A_96 = tpu.memref_squeeze %dma_start3A_95 : memref<1x40x125xi32, #tpu.memory_space<hbm>> -> memref<40x125xi32, #tpu.memory_space<hbm>>
      tpu.enqueue_dma source(%dma_start3A_96 : memref<40x125xi32, #tpu.memory_space<hbm>>) target(%arg9 : memref<40x125xi32, #tpu.memory_space<vmem>>) target_semaphore(%run_scoped3A : memref<!tpu.dma_semaphore, #tpu.memory_space<semaphore_mem>>)
      %dma_wait3A_97 = arith.constant 0 : i32
      %dma_wait3A_98 = arith.constant 0 : i32
      %dma_wait3A_99 = tpu.memref_slice %arg4[%add3A, %dma_wait3A_97, %dma_wait3A_98] : memref<32x80x125xi32, #tpu.memory_space<hbm>> -> memref<1x40x125xi32, #tpu.memory_space<hbm>>
      %dma_wait3A_100 = tpu.memref_squeeze %dma_wait3A_99 : memref<1x40x125xi32, #tpu.memory_space<hbm>> -> memref<40x125xi32, #tpu.memory_space<hbm>>
      %dma_wait3A_101 = arith.constant 0 : i32
      %dma_wait3A_102 = arith.constant 0 : i32
      %dma_wait3A_103 = tpu.memref_slice %arg4[%add3A, %dma_wait3A_101, %dma_wait3A_102] : memref<32x80x125xi32, #tpu.memory_space<hbm>> -> memref<1x40x125xi32, #tpu.memory_space<hbm>>
      %dma_wait3A_104 = tpu.memref_squeeze %dma_wait3A_103 : memref<1x40x125xi32, #tpu.memory_space<hbm>> -> memref<40x125xi32, #tpu.memory_space<hbm>>
      tpu.wait_dma2 semaphore(%run_scoped3A : memref<!tpu.dma_semaphore, #tpu.memory_space<semaphore_mem>>) src(%dma_wait3A_104 : memref<40x125xi32, #tpu.memory_space<hbm>>) dst(%arg9 : memref<40x125xi32, #tpu.memory_space<vmem>>)
      tpu.yield
    }) : () -> ()
    %dma_start3A = arith.constant 0 : i32
    %dma_start3A_3 = arith.constant 0 : i32
    %dma_start3A_4 = arith.constant 0 : i32
    %dma_start3A_5 = arith.constant 0 : i32
    %dma_start3A_6 = tpu.memref_slice %arg10[%dma_start3A_3, %dma_start3A_4, %dma_start3A_5] : memref<2x125x128xf32, #tpu.memory_space<vmem>> -> memref<1x125x128xf32, #tpu.memory_space<vmem>>
    %dma_start3A_7 = tpu.memref_squeeze %dma_start3A_6 : memref<1x125x128xf32, #tpu.memory_space<vmem>> -> memref<125x128xf32, #tpu.memory_space<vmem>>
    %dma_start3A_8 = arith.constant 0 : i32
    %dma_start3A_9 = tpu.memref_slice %arg8[%dma_start3A, %dma_start3A_8] : memref<40x125xi32, #tpu.memory_space<vmem>> -> memref<1x125xi32, #tpu.memory_space<vmem>>
    %dma_start3A_10 = tpu.memref_squeeze %dma_start3A_9 : memref<1x125xi32, #tpu.memory_space<vmem>> -> memref<125xi32, #tpu.memory_space<vmem>>
    %dma_start3A_11 = arith.constant 0 : i32
    %dma_start3A_12 = arith.constant 0 : i32
    %dma_start3A_13 = tpu.memref_slice %arg2[%dma_start3A_11, %dma_start3A_12] : memref<270000x128xf32, #tpu.memory_space<hbm>> -> memref<270000x128xf32, #tpu.memory_space<hbm>>
    tpu.enqueue_indirect_dma source(%dma_start3A_13 : memref<270000x128xf32, #tpu.memory_space<hbm>>) target(%dma_start3A_7 : memref<125x128xf32, #tpu.memory_space<vmem>>) offsets(%dma_start3A_10 : memref<125xi32, #tpu.memory_space<vmem>>) semaphore(%arg11 : memref<!tpu.dma_semaphore, #tpu.memory_space<semaphore_mem>>)
    %scan3A = arith.constant 0 : i32
    %scan3A_14 = arith.constant 0 : i32
    %scan3A_15 = arith.constant 20 : i32
    %scan3A_16 = arith.addi %scan3A_14, %scan3A_15 : i32
    %scan3A_17 = arith.constant 1 : i32
    scf.for %scan3A_89 = %scan3A_14 to %scan3A_16 step %scan3A_17  : i32 {
      %mul3A_90 = arith.constant 2 : i32
      %mul3A_91 = arith.muli %scan3A_89, %mul3A_90 : i32
      %add3A_92 = arith.constant 0 : i32
      %add3A_93 = arith.addi %mul3A_91, %add3A_92 : i32
      %dma_wait3A_94 = arith.constant 0 : i32
      %dma_wait3A_95 = arith.constant 0 : i32
      %dma_wait3A_96 = arith.constant 0 : i32
      %dma_wait3A_97 = tpu.memref_slice %arg10[%dma_wait3A_94, %dma_wait3A_95, %dma_wait3A_96] : memref<2x125x128xf32, #tpu.memory_space<vmem>> -> memref<1x125x128xf32, #tpu.memory_space<vmem>>
      %dma_wait3A_98 = tpu.memref_squeeze %dma_wait3A_97 : memref<1x125x128xf32, #tpu.memory_space<vmem>> -> memref<125x128xf32, #tpu.memory_space<vmem>>
      %dma_wait3A_99 = arith.constant 0 : i32
      %dma_wait3A_100 = tpu.memref_slice %arg8[%add3A_93, %dma_wait3A_99] : memref<40x125xi32, #tpu.memory_space<vmem>> -> memref<1x125xi32, #tpu.memory_space<vmem>>
      %dma_wait3A_101 = tpu.memref_squeeze %dma_wait3A_100 : memref<1x125xi32, #tpu.memory_space<vmem>> -> memref<125xi32, #tpu.memory_space<vmem>>
      %dma_wait3A_102 = arith.constant 0 : i32
      %dma_wait3A_103 = arith.constant 0 : i32
      %dma_wait3A_104 = tpu.memref_slice %arg2[%dma_wait3A_102, %dma_wait3A_103] : memref<270000x128xf32, #tpu.memory_space<hbm>> -> memref<270000x128xf32, #tpu.memory_space<hbm>>
      tpu.wait_indirect_dma semaphore(%arg11 : memref<!tpu.dma_semaphore, #tpu.memory_space<semaphore_mem>>) src(%dma_wait3A_104 : memref<270000x128xf32, #tpu.memory_space<hbm>>) dst(%dma_wait3A_98 : memref<125x128xf32, #tpu.memory_space<vmem>>)
      %dma_start3A_105 = arith.constant 0 : i32
      %dma_start3A_106 = arith.constant 0 : i32
      %dma_start3A_107 = arith.constant 0 : i32
      %dma_start3A_108 = tpu.memref_slice %arg10[%dma_start3A_105, %dma_start3A_106, %dma_start3A_107] : memref<2x125x128xf32, #tpu.memory_space<vmem>> -> memref<1x125x128xf32, #tpu.memory_space<vmem>>
      %dma_start3A_109 = tpu.memref_squeeze %dma_start3A_108 : memref<1x125x128xf32, #tpu.memory_space<vmem>> -> memref<125x128xf32, #tpu.memory_space<vmem>>
      %dma_start3A_110 = arith.constant 0 : i32
      %dma_start3A_111 = tpu.memref_slice %arg9[%add3A_93, %dma_start3A_110] : memref<40x125xi32, #tpu.memory_space<vmem>> -> memref<1x125xi32, #tpu.memory_space<vmem>>
      %dma_start3A_112 = tpu.memref_squeeze %dma_start3A_111 : memref<1x125xi32, #tpu.memory_space<vmem>> -> memref<125xi32, #tpu.memory_space<vmem>>
      %dma_start3A_113 = arith.constant 0 : i32
      %dma_start3A_114 = arith.constant 0 : i32
      %dma_start3A_115 = tpu.memref_slice %arg7[%dma_start3A_113, %dma_start3A_114] : memref<10240x128xf32, #tpu.memory_space<vmem_shared>> -> memref<10240x128xf32, #tpu.memory_space<vmem_shared>>
      tpu.enqueue_indirect_dma source(%dma_start3A_109 : memref<125x128xf32, #tpu.memory_space<vmem>>) target(%dma_start3A_115 : memref<10240x128xf32, #tpu.memory_space<vmem_shared>>) offsets(%dma_start3A_112 : memref<125xi32, #tpu.memory_space<vmem>>) semaphore(%arg13 : memref<!tpu.dma_semaphore, #tpu.memory_space<semaphore_mem>>) {add = true}
      %add3A_116 = arith.constant 1 : i32
      %add3A_117 = arith.addi %add3A_93, %add3A_116 : i32
      %lt3A = arith.constant 40 : i32
      %lt3A_118 = arith.cmpi slt, %add3A_117, %lt3A : i32
      %convert_element_type3A = arith.extui %lt3A_118 : i1 to i32
      %cond3A = arith.constant 0 : i32
      %cond3A_119 = arith.cmpi ne, %convert_element_type3A, %cond3A : i32
      scf.if %cond3A_119 {
        %ge3A = arith.constant 1 : i32
        %ge3A_153 = arith.cmpi sge, %add3A_93, %ge3A : i32
        %convert_element_type3A_154 = arith.extui %ge3A_153 : i1 to i32
        %cond3A_155 = arith.constant 0 : i32
        %cond3A_156 = arith.cmpi ne, %convert_element_type3A_154, %cond3A_155 : i32
        scf.if %cond3A_156 {
          %sub3A = arith.constant 1 : i32
          %sub3A_170 = arith.subi %add3A_93, %sub3A : i32
          %dma_wait3A_171 = arith.constant 1 : i32
          %dma_wait3A_172 = arith.constant 0 : i32
          %dma_wait3A_173 = arith.constant 0 : i32
          %dma_wait3A_174 = tpu.memref_slice %arg10[%dma_wait3A_171, %dma_wait3A_172, %dma_wait3A_173] : memref<2x125x128xf32, #tpu.memory_space<vmem>> -> memref<1x125x128xf32, #tpu.memory_space<vmem>>
          %dma_wait3A_175 = tpu.memref_squeeze %dma_wait3A_174 : memref<1x125x128xf32, #tpu.memory_space<vmem>> -> memref<125x128xf32, #tpu.memory_space<vmem>>
          %dma_wait3A_176 = arith.constant 0 : i32
          %dma_wait3A_177 = tpu.memref_slice %arg9[%sub3A_170, %dma_wait3A_176] : memref<40x125xi32, #tpu.memory_space<vmem>> -> memref<1x125xi32, #tpu.memory_space<vmem>>
          %dma_wait3A_178 = tpu.memref_squeeze %dma_wait3A_177 : memref<1x125xi32, #tpu.memory_space<vmem>> -> memref<125xi32, #tpu.memory_space<vmem>>
          %dma_wait3A_179 = arith.constant 0 : i32
          %dma_wait3A_180 = arith.constant 0 : i32
          %dma_wait3A_181 = tpu.memref_slice %arg7[%dma_wait3A_179, %dma_wait3A_180] : memref<10240x128xf32, #tpu.memory_space<vmem_shared>> -> memref<10240x128xf32, #tpu.memory_space<vmem_shared>>
          tpu.wait_indirect_dma semaphore(%arg14 : memref<!tpu.dma_semaphore, #tpu.memory_space<semaphore_mem>>) src(%dma_wait3A_175 : memref<125x128xf32, #tpu.memory_space<vmem>>) dst(%dma_wait3A_181 : memref<10240x128xf32, #tpu.memory_space<vmem_shared>>)
        } else {
        }
        %add3A_157 = arith.constant 1 : i32
        %add3A_158 = arith.addi %add3A_93, %add3A_157 : i32
        %dma_start3A_159 = arith.constant 1 : i32
        %dma_start3A_160 = arith.constant 0 : i32
        %dma_start3A_161 = arith.constant 0 : i32
        %dma_start3A_162 = tpu.memref_slice %arg10[%dma_start3A_159, %dma_start3A_160, %dma_start3A_161] : memref<2x125x128xf32, #tpu.memory_space<vmem>> -> memref<1x125x128xf32, #tpu.memory_space<vmem>>
        %dma_start3A_163 = tpu.memref_squeeze %dma_start3A_162 : memref<1x125x128xf32, #tpu.memory_space<vmem>> -> memref<125x128xf32, #tpu.memory_space<vmem>>
        %dma_start3A_164 = arith.constant 0 : i32
        %dma_start3A_165 = tpu.memref_slice %arg8[%add3A_158, %dma_start3A_164] : memref<40x125xi32, #tpu.memory_space<vmem>> -> memref<1x125xi32, #tpu.memory_space<vmem>>
        %dma_start3A_166 = tpu.memref_squeeze %dma_start3A_165 : memref<1x125xi32, #tpu.memory_space<vmem>> -> memref<125xi32, #tpu.memory_space<vmem>>
        %dma_start3A_167 = arith.constant 0 : i32
        %dma_start3A_168 = arith.constant 0 : i32
        %dma_start3A_169 = tpu.memref_slice %arg2[%dma_start3A_167, %dma_start3A_168] : memref<270000x128xf32, #tpu.memory_space<hbm>> -> memref<270000x128xf32, #tpu.memory_space<hbm>>
        tpu.enqueue_indirect_dma source(%dma_start3A_169 : memref<270000x128xf32, #tpu.memory_space<hbm>>) target(%dma_start3A_163 : memref<125x128xf32, #tpu.memory_space<vmem>>) offsets(%dma_start3A_166 : memref<125xi32, #tpu.memory_space<vmem>>) semaphore(%arg12 : memref<!tpu.dma_semaphore, #tpu.memory_space<semaphore_mem>>)
      } else {
      }
      %mul3A_120 = arith.constant 2 : i32
      %mul3A_121 = arith.muli %scan3A_89, %mul3A_120 : i32
      %add3A_122 = arith.constant 1 : i32
      %add3A_123 = arith.addi %mul3A_121, %add3A_122 : i32
      %dma_wait3A_124 = arith.constant 1 : i32
      %dma_wait3A_125 = arith.constant 0 : i32
      %dma_wait3A_126 = arith.constant 0 : i32
      %dma_wait3A_127 = tpu.memref_slice %arg10[%dma_wait3A_124, %dma_wait3A_125, %dma_wait3A_126] : memref<2x125x128xf32, #tpu.memory_space<vmem>> -> memref<1x125x128xf32, #tpu.memory_space<vmem>>
      %dma_wait3A_128 = tpu.memref_squeeze %dma_wait3A_127 : memref<1x125x128xf32, #tpu.memory_space<vmem>> -> memref<125x128xf32, #tpu.memory_space<vmem>>
      %dma_wait3A_129 = arith.constant 0 : i32
      %dma_wait3A_130 = tpu.memref_slice %arg8[%add3A_123, %dma_wait3A_129] : memref<40x125xi32, #tpu.memory_space<vmem>> -> memref<1x125xi32, #tpu.memory_space<vmem>>
      %dma_wait3A_131 = tpu.memref_squeeze %dma_wait3A_130 : memref<1x125xi32, #tpu.memory_space<vmem>> -> memref<125xi32, #tpu.memory_space<vmem>>
      %dma_wait3A_132 = arith.constant 0 : i32
      %dma_wait3A_133 = arith.constant 0 : i32
      %dma_wait3A_134 = tpu.memref_slice %arg2[%dma_wait3A_132, %dma_wait3A_133] : memref<270000x128xf32, #tpu.memory_space<hbm>> -> memref<270000x128xf32, #tpu.memory_space<hbm>>
      tpu.wait_indirect_dma semaphore(%arg12 : memref<!tpu.dma_semaphore, #tpu.memory_space<semaphore_mem>>) src(%dma_wait3A_134 : memref<270000x128xf32, #tpu.memory_space<hbm>>) dst(%dma_wait3A_128 : memref<125x128xf32, #tpu.memory_space<vmem>>)
      %dma_start3A_135 = arith.constant 1 : i32
      %dma_start3A_136 = arith.constant 0 : i32
      %dma_start3A_137 = arith.constant 0 : i32
      %dma_start3A_138 = tpu.memref_slice %arg10[%dma_start3A_135, %dma_start3A_136, %dma_start3A_137] : memref<2x125x128xf32, #tpu.memory_space<vmem>> -> memref<1x125x128xf32, #tpu.memory_space<vmem>>
      %dma_start3A_139 = tpu.memref_squeeze %dma_start3A_138 : memref<1x125x128xf32, #tpu.memory_space<vmem>> -> memref<125x128xf32, #tpu.memory_space<vmem>>
      %dma_start3A_140 = arith.constant 0 : i32
      %dma_start3A_141 = tpu.memref_slice %arg9[%add3A_123, %dma_start3A_140] : memref<40x125xi32, #tpu.memory_space<vmem>> -> memref<1x125xi32, #tpu.memory_space<vmem>>
      %dma_start3A_142 = tpu.memref_squeeze %dma_start3A_141 : memref<1x125xi32, #tpu.memory_space<vmem>> -> memref<125xi32, #tpu.memory_space<vmem>>
      %dma_start3A_143 = arith.constant 0 : i32
      %dma_start3A_144 = arith.constant 0 : i32
      %dma_start3A_145 = tpu.memref_slice %arg7[%dma_start3A_143, %dma_start3A_144] : memref<10240x128xf32, #tpu.memory_space<vmem_shared>> -> memref<10240x128xf32, #tpu.memory_space<vmem_shared>>
      tpu.enqueue_indirect_dma source(%dma_start3A_139 : memref<125x128xf32, #tpu.memory_space<vmem>>) target(%dma_start3A_145 : memref<10240x128xf32, #tpu.memory_space<vmem_shared>>) offsets(%dma_start3A_142 : memref<125xi32, #tpu.memory_space<vmem>>) semaphore(%arg14 : memref<!tpu.dma_semaphore, #tpu.memory_space<semaphore_mem>>) {add = true}
      %add3A_146 = arith.constant 1 : i32
      %add3A_147 = arith.addi %add3A_123, %add3A_146 : i32
      %lt3A_148 = arith.constant 40 : i32
      %lt3A_149 = arith.cmpi slt, %add3A_147, %lt3A_148 : i32
      %convert_element_type3A_150 = arith.extui %lt3A_149 : i1 to i32
      %cond3A_151 = arith.constant 0 : i32
      %cond3A_152 = arith.cmpi ne, %convert_element_type3A_150, %cond3A_151 : i32
      scf.if %cond3A_152 {
        %ge3A = arith.constant 1 : i32
        %ge3A_153 = arith.cmpi sge, %add3A_123, %ge3A : i32
        %convert_element_type3A_154 = arith.extui %ge3A_153 : i1 to i32
        %cond3A_155 = arith.constant 0 : i32
        %cond3A_156 = arith.cmpi ne, %convert_element_type3A_154, %cond3A_155 : i32
        scf.if %cond3A_156 {
          %sub3A = arith.constant 1 : i32
          %sub3A_170 = arith.subi %add3A_123, %sub3A : i32
          %dma_wait3A_171 = arith.constant 0 : i32
          %dma_wait3A_172 = arith.constant 0 : i32
          %dma_wait3A_173 = arith.constant 0 : i32
          %dma_wait3A_174 = tpu.memref_slice %arg10[%dma_wait3A_171, %dma_wait3A_172, %dma_wait3A_173] : memref<2x125x128xf32, #tpu.memory_space<vmem>> -> memref<1x125x128xf32, #tpu.memory_space<vmem>>
          %dma_wait3A_175 = tpu.memref_squeeze %dma_wait3A_174 : memref<1x125x128xf32, #tpu.memory_space<vmem>> -> memref<125x128xf32, #tpu.memory_space<vmem>>
          %dma_wait3A_176 = arith.constant 0 : i32
          %dma_wait3A_177 = tpu.memref_slice %arg9[%sub3A_170, %dma_wait3A_176] : memref<40x125xi32, #tpu.memory_space<vmem>> -> memref<1x125xi32, #tpu.memory_space<vmem>>
          %dma_wait3A_178 = tpu.memref_squeeze %dma_wait3A_177 : memref<1x125xi32, #tpu.memory_space<vmem>> -> memref<125xi32, #tpu.memory_space<vmem>>
          %dma_wait3A_179 = arith.constant 0 : i32
          %dma_wait3A_180 = arith.constant 0 : i32
          %dma_wait3A_181 = tpu.memref_slice %arg7[%dma_wait3A_179, %dma_wait3A_180] : memref<10240x128xf32, #tpu.memory_space<vmem_shared>> -> memref<10240x128xf32, #tpu.memory_space<vmem_shared>>
          tpu.wait_indirect_dma semaphore(%arg13 : memref<!tpu.dma_semaphore, #tpu.memory_space<semaphore_mem>>) src(%dma_wait3A_175 : memref<125x128xf32, #tpu.memory_space<vmem>>) dst(%dma_wait3A_181 : memref<10240x128xf32, #tpu.memory_space<vmem_shared>>)
        } else {
        }
        %add3A_157 = arith.constant 1 : i32
        %add3A_158 = arith.addi %add3A_123, %add3A_157 : i32
        %dma_start3A_159 = arith.constant 0 : i32
        %dma_start3A_160 = arith.constant 0 : i32
        %dma_start3A_161 = arith.constant 0 : i32
        %dma_start3A_162 = tpu.memref_slice %arg10[%dma_start3A_159, %dma_start3A_160, %dma_start3A_161] : memref<2x125x128xf32, #tpu.memory_space<vmem>> -> memref<1x125x128xf32, #tpu.memory_space<vmem>>
        %dma_start3A_163 = tpu.memref_squeeze %dma_start3A_162 : memref<1x125x128xf32, #tpu.memory_space<vmem>> -> memref<125x128xf32, #tpu.memory_space<vmem>>
        %dma_start3A_164 = arith.constant 0 : i32
        %dma_start3A_165 = tpu.memref_slice %arg8[%add3A_158, %dma_start3A_164] : memref<40x125xi32, #tpu.memory_space<vmem>> -> memref<1x125xi32, #tpu.memory_space<vmem>>
        %dma_start3A_166 = tpu.memref_squeeze %dma_start3A_165 : memref<1x125xi32, #tpu.memory_space<vmem>> -> memref<125xi32, #tpu.memory_space<vmem>>
        %dma_start3A_167 = arith.constant 0 : i32
        %dma_start3A_168 = arith.constant 0 : i32
        %dma_start3A_169 = tpu.memref_slice %arg2[%dma_start3A_167, %dma_start3A_168] : memref<270000x128xf32, #tpu.memory_space<hbm>> -> memref<270000x128xf32, #tpu.memory_space<hbm>>
        tpu.enqueue_indirect_dma source(%dma_start3A_169 : memref<270000x128xf32, #tpu.memory_space<hbm>>) target(%dma_start3A_163 : memref<125x128xf32, #tpu.memory_space<vmem>>) offsets(%dma_start3A_166 : memref<125xi32, #tpu.memory_space<vmem>>) semaphore(%arg11 : memref<!tpu.dma_semaphore, #tpu.memory_space<semaphore_mem>>)
      } else {
      }
    }
    %scan3A_18 = arith.constant 20 : i32
    %dma_wait3A = arith.constant 0 : i32
    %dma_wait3A_19 = arith.constant 38 : i32
    %dma_wait3A_20 = arith.constant 0 : i32
    %dma_wait3A_21 = arith.constant 0 : i32
    %dma_wait3A_22 = tpu.memref_slice %arg10[%dma_wait3A, %dma_wait3A_20, %dma_wait3A_21] : memref<2x125x128xf32, #tpu.memory_space<vmem>> -> memref<1x125x128xf32, #tpu.memory_space<vmem>>
    %dma_wait3A_23 = tpu.memref_squeeze %dma_wait3A_22 : memref<1x125x128xf32, #tpu.memory_space<vmem>> -> memref<125x128xf32, #tpu.memory_space<vmem>>
    %dma_wait3A_24 = arith.constant 0 : i32
    %dma_wait3A_25 = tpu.memref_slice %arg9[%dma_wait3A_19, %dma_wait3A_24] : memref<40x125xi32, #tpu.memory_space<vmem>> -> memref<1x125xi32, #tpu.memory_space<vmem>>
    %dma_wait3A_26 = tpu.memref_squeeze %dma_wait3A_25 : memref<1x125xi32, #tpu.memory_space<vmem>> -> memref<125xi32, #tpu.memory_space<vmem>>
    %dma_wait3A_27 = arith.constant 0 : i32
    %dma_wait3A_28 = arith.constant 0 : i32
    %dma_wait3A_29 = tpu.memref_slice %arg7[%dma_wait3A_27, %dma_wait3A_28] : memref<10240x128xf32, #tpu.memory_space<vmem_shared>> -> memref<10240x128xf32, #tpu.memory_space<vmem_shared>>
    tpu.wait_indirect_dma semaphore(%arg13 : memref<!tpu.dma_semaphore, #tpu.memory_space<semaphore_mem>>) src(%dma_wait3A_23 : memref<125x128xf32, #tpu.memory_space<vmem>>) dst(%dma_wait3A_29 : memref<10240x128xf32, #tpu.memory_space<vmem_shared>>)
    %dma_wait3A_30 = arith.constant 1 : i32
    %dma_wait3A_31 = arith.constant 39 : i32
    %dma_wait3A_32 = arith.constant 0 : i32
    %dma_wait3A_33 = arith.constant 0 : i32
    %dma_wait3A_34 = tpu.memref_slice %arg10[%dma_wait3A_30, %dma_wait3A_32, %dma_wait3A_33] : memref<2x125x128xf32, #tpu.memory_space<vmem>> -> memref<1x125x128xf32, #tpu.memory_space<vmem>>
    %dma_wait3A_35 = tpu.memref_squeeze %dma_wait3A_34 : memref<1x125x128xf32, #tpu.memory_space<vmem>> -> memref<125x128xf32, #tpu.memory_space<vmem>>
    %dma_wait3A_36 = arith.constant 0 : i32
    %dma_wait3A_37 = tpu.memref_slice %arg9[%dma_wait3A_31, %dma_wait3A_36] : memref<40x125xi32, #tpu.memory_space<vmem>> -> memref<1x125xi32, #tpu.memory_space<vmem>>
    %dma_wait3A_38 = tpu.memref_squeeze %dma_wait3A_37 : memref<1x125xi32, #tpu.memory_space<vmem>> -> memref<125xi32, #tpu.memory_space<vmem>>
    %dma_wait3A_39 = arith.constant 0 : i32
    %dma_wait3A_40 = arith.constant 0 : i32
    %dma_wait3A_41 = tpu.memref_slice %arg7[%dma_wait3A_39, %dma_wait3A_40] : memref<10240x128xf32, #tpu.memory_space<vmem_shared>> -> memref<10240x128xf32, #tpu.memory_space<vmem_shared>>
    tpu.wait_indirect_dma semaphore(%arg14 : memref<!tpu.dma_semaphore, #tpu.memory_space<semaphore_mem>>) src(%dma_wait3A_35 : memref<125x128xf32, #tpu.memory_space<vmem>>) dst(%dma_wait3A_41 : memref<10240x128xf32, #tpu.memory_space<vmem_shared>>)
    "tpu.region"() ({
      %run_scoped3A = tpu.sem_alloc : memref<!tpu.dma_semaphore, #tpu.memory_space<semaphore_mem>>
      %dma_start3A_89 = arith.constant 40 : i32
      %dma_start3A_90 = arith.constant 0 : i32
      %dma_start3A_91 = tpu.memref_slice %arg3[%add3A, %dma_start3A_89, %dma_start3A_90] : memref<32x80x125xi32, #tpu.memory_space<hbm>> -> memref<1x40x125xi32, #tpu.memory_space<hbm>>
      %dma_start3A_92 = tpu.memref_squeeze %dma_start3A_91 : memref<1x40x125xi32, #tpu.memory_space<hbm>> -> memref<40x125xi32, #tpu.memory_space<hbm>>
      %dma_start3A_93 = arith.constant 40 : i32
      %dma_start3A_94 = arith.constant 0 : i32
      %dma_start3A_95 = tpu.memref_slice %arg3[%add3A, %dma_start3A_93, %dma_start3A_94] : memref<32x80x125xi32, #tpu.memory_space<hbm>> -> memref<1x40x125xi32, #tpu.memory_space<hbm>>
      %dma_start3A_96 = tpu.memref_squeeze %dma_start3A_95 : memref<1x40x125xi32, #tpu.memory_space<hbm>> -> memref<40x125xi32, #tpu.memory_space<hbm>>
      tpu.enqueue_dma source(%dma_start3A_96 : memref<40x125xi32, #tpu.memory_space<hbm>>) target(%arg8 : memref<40x125xi32, #tpu.memory_space<vmem>>) target_semaphore(%run_scoped3A : memref<!tpu.dma_semaphore, #tpu.memory_space<semaphore_mem>>)
      %dma_wait3A_97 = arith.constant 40 : i32
      %dma_wait3A_98 = arith.constant 0 : i32
      %dma_wait3A_99 = tpu.memref_slice %arg3[%add3A, %dma_wait3A_97, %dma_wait3A_98] : memref<32x80x125xi32, #tpu.memory_space<hbm>> -> memref<1x40x125xi32, #tpu.memory_space<hbm>>
      %dma_wait3A_100 = tpu.memref_squeeze %dma_wait3A_99 : memref<1x40x125xi32, #tpu.memory_space<hbm>> -> memref<40x125xi32, #tpu.memory_space<hbm>>
      %dma_wait3A_101 = arith.constant 40 : i32
      %dma_wait3A_102 = arith.constant 0 : i32
      %dma_wait3A_103 = tpu.memref_slice %arg3[%add3A, %dma_wait3A_101, %dma_wait3A_102] : memref<32x80x125xi32, #tpu.memory_space<hbm>> -> memref<1x40x125xi32, #tpu.memory_space<hbm>>
      %dma_wait3A_104 = tpu.memref_squeeze %dma_wait3A_103 : memref<1x40x125xi32, #tpu.memory_space<hbm>> -> memref<40x125xi32, #tpu.memory_space<hbm>>
      tpu.wait_dma2 semaphore(%run_scoped3A : memref<!tpu.dma_semaphore, #tpu.memory_space<semaphore_mem>>) src(%dma_wait3A_104 : memref<40x125xi32, #tpu.memory_space<hbm>>) dst(%arg8 : memref<40x125xi32, #tpu.memory_space<vmem>>)
      tpu.yield
    }) : () -> ()
    "tpu.region"() ({
      %run_scoped3A = tpu.sem_alloc : memref<!tpu.dma_semaphore, #tpu.memory_space<semaphore_mem>>
      %dma_start3A_89 = arith.constant 40 : i32
      %dma_start3A_90 = arith.constant 0 : i32
      %dma_start3A_91 = tpu.memref_slice %arg4[%add3A, %dma_start3A_89, %dma_start3A_90] : memref<32x80x125xi32, #tpu.memory_space<hbm>> -> memref<1x40x125xi32, #tpu.memory_space<hbm>>
      %dma_start3A_92 = tpu.memref_squeeze %dma_start3A_91 : memref<1x40x125xi32, #tpu.memory_space<hbm>> -> memref<40x125xi32, #tpu.memory_space<hbm>>
      %dma_start3A_93 = arith.constant 40 : i32
      %dma_start3A_94 = arith.constant 0 : i32
      %dma_start3A_95 = tpu.memref_slice %arg4[%add3A, %dma_start3A_93, %dma_start3A_94] : memref<32x80x125xi32, #tpu.memory_space<hbm>> -> memref<1x40x125xi32, #tpu.memory_space<hbm>>
      %dma_start3A_96 = tpu.memref_squeeze %dma_start3A_95 : memref<1x40x125xi32, #tpu.memory_space<hbm>> -> memref<40x125xi32, #tpu.memory_space<hbm>>
      tpu.enqueue_dma source(%dma_start3A_96 : memref<40x125xi32, #tpu.memory_space<hbm>>) target(%arg9 : memref<40x125xi32, #tpu.memory_space<vmem>>) target_semaphore(%run_scoped3A : memref<!tpu.dma_semaphore, #tpu.memory_space<semaphore_mem>>)
      %dma_wait3A_97 = arith.constant 40 : i32
      %dma_wait3A_98 = arith.constant 0 : i32
      %dma_wait3A_99 = tpu.memref_slice %arg4[%add3A, %dma_wait3A_97, %dma_wait3A_98] : memref<32x80x125xi32, #tpu.memory_space<hbm>> -> memref<1x40x125xi32, #tpu.memory_space<hbm>>
      %dma_wait3A_100 = tpu.memref_squeeze %dma_wait3A_99 : memref<1x40x125xi32, #tpu.memory_space<hbm>> -> memref<40x125xi32, #tpu.memory_space<hbm>>
      %dma_wait3A_101 = arith.constant 40 : i32
      %dma_wait3A_102 = arith.constant 0 : i32
      %dma_wait3A_103 = tpu.memref_slice %arg4[%add3A, %dma_wait3A_101, %dma_wait3A_102] : memref<32x80x125xi32, #tpu.memory_space<hbm>> -> memref<1x40x125xi32, #tpu.memory_space<hbm>>
      %dma_wait3A_104 = tpu.memref_squeeze %dma_wait3A_103 : memref<1x40x125xi32, #tpu.memory_space<hbm>> -> memref<40x125xi32, #tpu.memory_space<hbm>>
      tpu.wait_dma2 semaphore(%run_scoped3A : memref<!tpu.dma_semaphore, #tpu.memory_space<semaphore_mem>>) src(%dma_wait3A_104 : memref<40x125xi32, #tpu.memory_space<hbm>>) dst(%arg9 : memref<40x125xi32, #tpu.memory_space<vmem>>)
      tpu.yield
    }) : () -> ()
    %dma_start3A_42 = arith.constant 0 : i32
    %dma_start3A_43 = arith.constant 0 : i32
    %dma_start3A_44 = arith.constant 0 : i32
    %dma_start3A_45 = arith.constant 0 : i32
    %dma_start3A_46 = tpu.memref_slice %arg10[%dma_start3A_43, %dma_start3A_44, %dma_start3A_45] : memref<2x125x128xf32, #tpu.memory_space<vmem>> -> memref<1x125x128xf32, #tpu.memory_space<vmem>>
    %dma_start3A_47 = tpu.memref_squeeze %dma_start3A_46 : memref<1x125x128xf32, #tpu.memory_space<vmem>> -> memref<125x128xf32, #tpu.memory_space<vmem>>
    %dma_start3A_48 = arith.constant 0 : i32
    %dma_start3A_49 = tpu.memref_slice %arg8[%dma_start3A_42, %dma_start3A_48] : memref<40x125xi32, #tpu.memory_space<vmem>> -> memref<1x125xi32, #tpu.memory_space<vmem>>
    %dma_start3A_50 = tpu.memref_squeeze %dma_start3A_49 : memref<1x125xi32, #tpu.memory_space<vmem>> -> memref<125xi32, #tpu.memory_space<vmem>>
    %dma_start3A_51 = arith.constant 0 : i32
    %dma_start3A_52 = arith.constant 0 : i32
    %dma_start3A_53 = tpu.memref_slice %arg2[%dma_start3A_51, %dma_start3A_52] : memref<270000x128xf32, #tpu.memory_space<hbm>> -> memref<270000x128xf32, #tpu.memory_space<hbm>>
    tpu.enqueue_indirect_dma source(%dma_start3A_53 : memref<270000x128xf32, #tpu.memory_space<hbm>>) target(%dma_start3A_47 : memref<125x128xf32, #tpu.memory_space<vmem>>) offsets(%dma_start3A_50 : memref<125xi32, #tpu.memory_space<vmem>>) semaphore(%arg11 : memref<!tpu.dma_semaphore, #tpu.memory_space<semaphore_mem>>)
    %scan3A_54 = arith.constant 0 : i32
    %scan3A_55 = arith.constant 0 : i32
    %scan3A_56 = arith.constant 20 : i32
    %scan3A_57 = arith.addi %scan3A_55, %scan3A_56 : i32
    %scan3A_58 = arith.constant 1 : i32
    scf.for %scan3A_89 = %scan3A_55 to %scan3A_57 step %scan3A_58  : i32 {
      %mul3A_90 = arith.constant 2 : i32
      %mul3A_91 = arith.muli %scan3A_89, %mul3A_90 : i32
      %add3A_92 = arith.constant 0 : i32
      %add3A_93 = arith.addi %mul3A_91, %add3A_92 : i32
      %dma_wait3A_94 = arith.constant 0 : i32
      %dma_wait3A_95 = arith.constant 0 : i32
      %dma_wait3A_96 = arith.constant 0 : i32
      %dma_wait3A_97 = tpu.memref_slice %arg10[%dma_wait3A_94, %dma_wait3A_95, %dma_wait3A_96] : memref<2x125x128xf32, #tpu.memory_space<vmem>> -> memref<1x125x128xf32, #tpu.memory_space<vmem>>
      %dma_wait3A_98 = tpu.memref_squeeze %dma_wait3A_97 : memref<1x125x128xf32, #tpu.memory_space<vmem>> -> memref<125x128xf32, #tpu.memory_space<vmem>>
      %dma_wait3A_99 = arith.constant 0 : i32
      %dma_wait3A_100 = tpu.memref_slice %arg8[%add3A_93, %dma_wait3A_99] : memref<40x125xi32, #tpu.memory_space<vmem>> -> memref<1x125xi32, #tpu.memory_space<vmem>>
      %dma_wait3A_101 = tpu.memref_squeeze %dma_wait3A_100 : memref<1x125xi32, #tpu.memory_space<vmem>> -> memref<125xi32, #tpu.memory_space<vmem>>
      %dma_wait3A_102 = arith.constant 0 : i32
      %dma_wait3A_103 = arith.constant 0 : i32
      %dma_wait3A_104 = tpu.memref_slice %arg2[%dma_wait3A_102, %dma_wait3A_103] : memref<270000x128xf32, #tpu.memory_space<hbm>> -> memref<270000x128xf32, #tpu.memory_space<hbm>>
      tpu.wait_indirect_dma semaphore(%arg11 : memref<!tpu.dma_semaphore, #tpu.memory_space<semaphore_mem>>) src(%dma_wait3A_104 : memref<270000x128xf32, #tpu.memory_space<hbm>>) dst(%dma_wait3A_98 : memref<125x128xf32, #tpu.memory_space<vmem>>)
      %dma_start3A_105 = arith.constant 0 : i32
      %dma_start3A_106 = arith.constant 0 : i32
      %dma_start3A_107 = arith.constant 0 : i32
      %dma_start3A_108 = tpu.memref_slice %arg10[%dma_start3A_105, %dma_start3A_106, %dma_start3A_107] : memref<2x125x128xf32, #tpu.memory_space<vmem>> -> memref<1x125x128xf32, #tpu.memory_space<vmem>>
      %dma_start3A_109 = tpu.memref_squeeze %dma_start3A_108 : memref<1x125x128xf32, #tpu.memory_space<vmem>> -> memref<125x128xf32, #tpu.memory_space<vmem>>
      %dma_start3A_110 = arith.constant 0 : i32
      %dma_start3A_111 = tpu.memref_slice %arg9[%add3A_93, %dma_start3A_110] : memref<40x125xi32, #tpu.memory_space<vmem>> -> memref<1x125xi32, #tpu.memory_space<vmem>>
      %dma_start3A_112 = tpu.memref_squeeze %dma_start3A_111 : memref<1x125xi32, #tpu.memory_space<vmem>> -> memref<125xi32, #tpu.memory_space<vmem>>
      %dma_start3A_113 = arith.constant 0 : i32
      %dma_start3A_114 = arith.constant 0 : i32
      %dma_start3A_115 = tpu.memref_slice %arg7[%dma_start3A_113, %dma_start3A_114] : memref<10240x128xf32, #tpu.memory_space<vmem_shared>> -> memref<10240x128xf32, #tpu.memory_space<vmem_shared>>
      tpu.enqueue_indirect_dma source(%dma_start3A_109 : memref<125x128xf32, #tpu.memory_space<vmem>>) target(%dma_start3A_115 : memref<10240x128xf32, #tpu.memory_space<vmem_shared>>) offsets(%dma_start3A_112 : memref<125xi32, #tpu.memory_space<vmem>>) semaphore(%arg13 : memref<!tpu.dma_semaphore, #tpu.memory_space<semaphore_mem>>) {add = true}
      %add3A_116 = arith.constant 1 : i32
      %add3A_117 = arith.addi %add3A_93, %add3A_116 : i32
      %lt3A = arith.constant 40 : i32
      %lt3A_118 = arith.cmpi slt, %add3A_117, %lt3A : i32
      %convert_element_type3A = arith.extui %lt3A_118 : i1 to i32
      %cond3A = arith.constant 0 : i32
      %cond3A_119 = arith.cmpi ne, %convert_element_type3A, %cond3A : i32
      scf.if %cond3A_119 {
        %ge3A = arith.constant 1 : i32
        %ge3A_153 = arith.cmpi sge, %add3A_93, %ge3A : i32
        %convert_element_type3A_154 = arith.extui %ge3A_153 : i1 to i32
        %cond3A_155 = arith.constant 0 : i32
        %cond3A_156 = arith.cmpi ne, %convert_element_type3A_154, %cond3A_155 : i32
        scf.if %cond3A_156 {
          %sub3A = arith.constant 1 : i32
          %sub3A_170 = arith.subi %add3A_93, %sub3A : i32
          %dma_wait3A_171 = arith.constant 1 : i32
          %dma_wait3A_172 = arith.constant 0 : i32
          %dma_wait3A_173 = arith.constant 0 : i32
          %dma_wait3A_174 = tpu.memref_slice %arg10[%dma_wait3A_171, %dma_wait3A_172, %dma_wait3A_173] : memref<2x125x128xf32, #tpu.memory_space<vmem>> -> memref<1x125x128xf32, #tpu.memory_space<vmem>>
          %dma_wait3A_175 = tpu.memref_squeeze %dma_wait3A_174 : memref<1x125x128xf32, #tpu.memory_space<vmem>> -> memref<125x128xf32, #tpu.memory_space<vmem>>
          %dma_wait3A_176 = arith.constant 0 : i32
          %dma_wait3A_177 = tpu.memref_slice %arg9[%sub3A_170, %dma_wait3A_176] : memref<40x125xi32, #tpu.memory_space<vmem>> -> memref<1x125xi32, #tpu.memory_space<vmem>>
          %dma_wait3A_178 = tpu.memref_squeeze %dma_wait3A_177 : memref<1x125xi32, #tpu.memory_space<vmem>> -> memref<125xi32, #tpu.memory_space<vmem>>
          %dma_wait3A_179 = arith.constant 0 : i32
          %dma_wait3A_180 = arith.constant 0 : i32
          %dma_wait3A_181 = tpu.memref_slice %arg7[%dma_wait3A_179, %dma_wait3A_180] : memref<10240x128xf32, #tpu.memory_space<vmem_shared>> -> memref<10240x128xf32, #tpu.memory_space<vmem_shared>>
          tpu.wait_indirect_dma semaphore(%arg14 : memref<!tpu.dma_semaphore, #tpu.memory_space<semaphore_mem>>) src(%dma_wait3A_175 : memref<125x128xf32, #tpu.memory_space<vmem>>) dst(%dma_wait3A_181 : memref<10240x128xf32, #tpu.memory_space<vmem_shared>>)
        } else {
        }
        %add3A_157 = arith.constant 1 : i32
        %add3A_158 = arith.addi %add3A_93, %add3A_157 : i32
        %dma_start3A_159 = arith.constant 1 : i32
        %dma_start3A_160 = arith.constant 0 : i32
        %dma_start3A_161 = arith.constant 0 : i32
        %dma_start3A_162 = tpu.memref_slice %arg10[%dma_start3A_159, %dma_start3A_160, %dma_start3A_161] : memref<2x125x128xf32, #tpu.memory_space<vmem>> -> memref<1x125x128xf32, #tpu.memory_space<vmem>>
        %dma_start3A_163 = tpu.memref_squeeze %dma_start3A_162 : memref<1x125x128xf32, #tpu.memory_space<vmem>> -> memref<125x128xf32, #tpu.memory_space<vmem>>
        %dma_start3A_164 = arith.constant 0 : i32
        %dma_start3A_165 = tpu.memref_slice %arg8[%add3A_158, %dma_start3A_164] : memref<40x125xi32, #tpu.memory_space<vmem>> -> memref<1x125xi32, #tpu.memory_space<vmem>>
        %dma_start3A_166 = tpu.memref_squeeze %dma_start3A_165 : memref<1x125xi32, #tpu.memory_space<vmem>> -> memref<125xi32, #tpu.memory_space<vmem>>
        %dma_start3A_167 = arith.constant 0 : i32
        %dma_start3A_168 = arith.constant 0 : i32
        %dma_start3A_169 = tpu.memref_slice %arg2[%dma_start3A_167, %dma_start3A_168] : memref<270000x128xf32, #tpu.memory_space<hbm>> -> memref<270000x128xf32, #tpu.memory_space<hbm>>
        tpu.enqueue_indirect_dma source(%dma_start3A_169 : memref<270000x128xf32, #tpu.memory_space<hbm>>) target(%dma_start3A_163 : memref<125x128xf32, #tpu.memory_space<vmem>>) offsets(%dma_start3A_166 : memref<125xi32, #tpu.memory_space<vmem>>) semaphore(%arg12 : memref<!tpu.dma_semaphore, #tpu.memory_space<semaphore_mem>>)
      } else {
      }
      %mul3A_120 = arith.constant 2 : i32
      %mul3A_121 = arith.muli %scan3A_89, %mul3A_120 : i32
      %add3A_122 = arith.constant 1 : i32
      %add3A_123 = arith.addi %mul3A_121, %add3A_122 : i32
      %dma_wait3A_124 = arith.constant 1 : i32
      %dma_wait3A_125 = arith.constant 0 : i32
      %dma_wait3A_126 = arith.constant 0 : i32
      %dma_wait3A_127 = tpu.memref_slice %arg10[%dma_wait3A_124, %dma_wait3A_125, %dma_wait3A_126] : memref<2x125x128xf32, #tpu.memory_space<vmem>> -> memref<1x125x128xf32, #tpu.memory_space<vmem>>
      %dma_wait3A_128 = tpu.memref_squeeze %dma_wait3A_127 : memref<1x125x128xf32, #tpu.memory_space<vmem>> -> memref<125x128xf32, #tpu.memory_space<vmem>>
      %dma_wait3A_129 = arith.constant 0 : i32
      %dma_wait3A_130 = tpu.memref_slice %arg8[%add3A_123, %dma_wait3A_129] : memref<40x125xi32, #tpu.memory_space<vmem>> -> memref<1x125xi32, #tpu.memory_space<vmem>>
      %dma_wait3A_131 = tpu.memref_squeeze %dma_wait3A_130 : memref<1x125xi32, #tpu.memory_space<vmem>> -> memref<125xi32, #tpu.memory_space<vmem>>
      %dma_wait3A_132 = arith.constant 0 : i32
      %dma_wait3A_133 = arith.constant 0 : i32
      %dma_wait3A_134 = tpu.memref_slice %arg2[%dma_wait3A_132, %dma_wait3A_133] : memref<270000x128xf32, #tpu.memory_space<hbm>> -> memref<270000x128xf32, #tpu.memory_space<hbm>>
      tpu.wait_indirect_dma semaphore(%arg12 : memref<!tpu.dma_semaphore, #tpu.memory_space<semaphore_mem>>) src(%dma_wait3A_134 : memref<270000x128xf32, #tpu.memory_space<hbm>>) dst(%dma_wait3A_128 : memref<125x128xf32, #tpu.memory_space<vmem>>)
      %dma_start3A_135 = arith.constant 1 : i32
      %dma_start3A_136 = arith.constant 0 : i32
      %dma_start3A_137 = arith.constant 0 : i32
      %dma_start3A_138 = tpu.memref_slice %arg10[%dma_start3A_135, %dma_start3A_136, %dma_start3A_137] : memref<2x125x128xf32, #tpu.memory_space<vmem>> -> memref<1x125x128xf32, #tpu.memory_space<vmem>>
      %dma_start3A_139 = tpu.memref_squeeze %dma_start3A_138 : memref<1x125x128xf32, #tpu.memory_space<vmem>> -> memref<125x128xf32, #tpu.memory_space<vmem>>
      %dma_start3A_140 = arith.constant 0 : i32
      %dma_start3A_141 = tpu.memref_slice %arg9[%add3A_123, %dma_start3A_140] : memref<40x125xi32, #tpu.memory_space<vmem>> -> memref<1x125xi32, #tpu.memory_space<vmem>>
      %dma_start3A_142 = tpu.memref_squeeze %dma_start3A_141 : memref<1x125xi32, #tpu.memory_space<vmem>> -> memref<125xi32, #tpu.memory_space<vmem>>
      %dma_start3A_143 = arith.constant 0 : i32
      %dma_start3A_144 = arith.constant 0 : i32
      %dma_start3A_145 = tpu.memref_slice %arg7[%dma_start3A_143, %dma_start3A_144] : memref<10240x128xf32, #tpu.memory_space<vmem_shared>> -> memref<10240x128xf32, #tpu.memory_space<vmem_shared>>
      tpu.enqueue_indirect_dma source(%dma_start3A_139 : memref<125x128xf32, #tpu.memory_space<vmem>>) target(%dma_start3A_145 : memref<10240x128xf32, #tpu.memory_space<vmem_shared>>) offsets(%dma_start3A_142 : memref<125xi32, #tpu.memory_space<vmem>>) semaphore(%arg14 : memref<!tpu.dma_semaphore, #tpu.memory_space<semaphore_mem>>) {add = true}
      %add3A_146 = arith.constant 1 : i32
      %add3A_147 = arith.addi %add3A_123, %add3A_146 : i32
      %lt3A_148 = arith.constant 40 : i32
      %lt3A_149 = arith.cmpi slt, %add3A_147, %lt3A_148 : i32
      %convert_element_type3A_150 = arith.extui %lt3A_149 : i1 to i32
      %cond3A_151 = arith.constant 0 : i32
      %cond3A_152 = arith.cmpi ne, %convert_element_type3A_150, %cond3A_151 : i32
      scf.if %cond3A_152 {
        %ge3A = arith.constant 1 : i32
        %ge3A_153 = arith.cmpi sge, %add3A_123, %ge3A : i32
        %convert_element_type3A_154 = arith.extui %ge3A_153 : i1 to i32
        %cond3A_155 = arith.constant 0 : i32
        %cond3A_156 = arith.cmpi ne, %convert_element_type3A_154, %cond3A_155 : i32
        scf.if %cond3A_156 {
          %sub3A = arith.constant 1 : i32
          %sub3A_170 = arith.subi %add3A_123, %sub3A : i32
          %dma_wait3A_171 = arith.constant 0 : i32
          %dma_wait3A_172 = arith.constant 0 : i32
          %dma_wait3A_173 = arith.constant 0 : i32
          %dma_wait3A_174 = tpu.memref_slice %arg10[%dma_wait3A_171, %dma_wait3A_172, %dma_wait3A_173] : memref<2x125x128xf32, #tpu.memory_space<vmem>> -> memref<1x125x128xf32, #tpu.memory_space<vmem>>
          %dma_wait3A_175 = tpu.memref_squeeze %dma_wait3A_174 : memref<1x125x128xf32, #tpu.memory_space<vmem>> -> memref<125x128xf32, #tpu.memory_space<vmem>>
          %dma_wait3A_176 = arith.constant 0 : i32
          %dma_wait3A_177 = tpu.memref_slice %arg9[%sub3A_170, %dma_wait3A_176] : memref<40x125xi32, #tpu.memory_space<vmem>> -> memref<1x125xi32, #tpu.memory_space<vmem>>
          %dma_wait3A_178 = tpu.memref_squeeze %dma_wait3A_177 : memref<1x125xi32, #tpu.memory_space<vmem>> -> memref<125xi32, #tpu.memory_space<vmem>>
          %dma_wait3A_179 = arith.constant 0 : i32
          %dma_wait3A_180 = arith.constant 0 : i32
          %dma_wait3A_181 = tpu.memref_slice %arg7[%dma_wait3A_179, %dma_wait3A_180] : memref<10240x128xf32, #tpu.memory_space<vmem_shared>> -> memref<10240x128xf32, #tpu.memory_space<vmem_shared>>
          tpu.wait_indirect_dma semaphore(%arg13 : memref<!tpu.dma_semaphore, #tpu.memory_space<semaphore_mem>>) src(%dma_wait3A_175 : memref<125x128xf32, #tpu.memory_space<vmem>>) dst(%dma_wait3A_181 : memref<10240x128xf32, #tpu.memory_space<vmem_shared>>)
        } else {
        }
        %add3A_157 = arith.constant 1 : i32
        %add3A_158 = arith.addi %add3A_123, %add3A_157 : i32
        %dma_start3A_159 = arith.constant 0 : i32
        %dma_start3A_160 = arith.constant 0 : i32
        %dma_start3A_161 = arith.constant 0 : i32
        %dma_start3A_162 = tpu.memref_slice %arg10[%dma_start3A_159, %dma_start3A_160, %dma_start3A_161] : memref<2x125x128xf32, #tpu.memory_space<vmem>> -> memref<1x125x128xf32, #tpu.memory_space<vmem>>
        %dma_start3A_163 = tpu.memref_squeeze %dma_start3A_162 : memref<1x125x128xf32, #tpu.memory_space<vmem>> -> memref<125x128xf32, #tpu.memory_space<vmem>>
        %dma_start3A_164 = arith.constant 0 : i32
        %dma_start3A_165 = tpu.memref_slice %arg8[%add3A_158, %dma_start3A_164] : memref<40x125xi32, #tpu.memory_space<vmem>> -> memref<1x125xi32, #tpu.memory_space<vmem>>
        %dma_start3A_166 = tpu.memref_squeeze %dma_start3A_165 : memref<1x125xi32, #tpu.memory_space<vmem>> -> memref<125xi32, #tpu.memory_space<vmem>>
        %dma_start3A_167 = arith.constant 0 : i32
        %dma_start3A_168 = arith.constant 0 : i32
        %dma_start3A_169 = tpu.memref_slice %arg2[%dma_start3A_167, %dma_start3A_168] : memref<270000x128xf32, #tpu.memory_space<hbm>> -> memref<270000x128xf32, #tpu.memory_space<hbm>>
        tpu.enqueue_indirect_dma source(%dma_start3A_169 : memref<270000x128xf32, #tpu.memory_space<hbm>>) target(%dma_start3A_163 : memref<125x128xf32, #tpu.memory_space<vmem>>) offsets(%dma_start3A_166 : memref<125xi32, #tpu.memory_space<vmem>>) semaphore(%arg11 : memref<!tpu.dma_semaphore, #tpu.memory_space<semaphore_mem>>)
      } else {
      }
    }
    %scan3A_59 = arith.constant 20 : i32
    %dma_wait3A_60 = arith.constant 0 : i32
    %dma_wait3A_61 = arith.constant 38 : i32
    %dma_wait3A_62 = arith.constant 0 : i32
    %dma_wait3A_63 = arith.constant 0 : i32
    %dma_wait3A_64 = tpu.memref_slice %arg10[%dma_wait3A_60, %dma_wait3A_62, %dma_wait3A_63] : memref<2x125x128xf32, #tpu.memory_space<vmem>> -> memref<1x125x128xf32, #tpu.memory_space<vmem>>
    %dma_wait3A_65 = tpu.memref_squeeze %dma_wait3A_64 : memref<1x125x128xf32, #tpu.memory_space<vmem>> -> memref<125x128xf32, #tpu.memory_space<vmem>>
    %dma_wait3A_66 = arith.constant 0 : i32
    %dma_wait3A_67 = tpu.memref_slice %arg9[%dma_wait3A_61, %dma_wait3A_66] : memref<40x125xi32, #tpu.memory_space<vmem>> -> memref<1x125xi32, #tpu.memory_space<vmem>>
    %dma_wait3A_68 = tpu.memref_squeeze %dma_wait3A_67 : memref<1x125xi32, #tpu.memory_space<vmem>> -> memref<125xi32, #tpu.memory_space<vmem>>
    %dma_wait3A_69 = arith.constant 0 : i32
    %dma_wait3A_70 = arith.constant 0 : i32
    %dma_wait3A_71 = tpu.memref_slice %arg7[%dma_wait3A_69, %dma_wait3A_70] : memref<10240x128xf32, #tpu.memory_space<vmem_shared>> -> memref<10240x128xf32, #tpu.memory_space<vmem_shared>>
    tpu.wait_indirect_dma semaphore(%arg13 : memref<!tpu.dma_semaphore, #tpu.memory_space<semaphore_mem>>) src(%dma_wait3A_65 : memref<125x128xf32, #tpu.memory_space<vmem>>) dst(%dma_wait3A_71 : memref<10240x128xf32, #tpu.memory_space<vmem_shared>>)
    %dma_wait3A_72 = arith.constant 1 : i32
    %dma_wait3A_73 = arith.constant 39 : i32
    %dma_wait3A_74 = arith.constant 0 : i32
    %dma_wait3A_75 = arith.constant 0 : i32
    %dma_wait3A_76 = tpu.memref_slice %arg10[%dma_wait3A_72, %dma_wait3A_74, %dma_wait3A_75] : memref<2x125x128xf32, #tpu.memory_space<vmem>> -> memref<1x125x128xf32, #tpu.memory_space<vmem>>
    %dma_wait3A_77 = tpu.memref_squeeze %dma_wait3A_76 : memref<1x125x128xf32, #tpu.memory_space<vmem>> -> memref<125x128xf32, #tpu.memory_space<vmem>>
    %dma_wait3A_78 = arith.constant 0 : i32
    %dma_wait3A_79 = tpu.memref_slice %arg9[%dma_wait3A_73, %dma_wait3A_78] : memref<40x125xi32, #tpu.memory_space<vmem>> -> memref<1x125xi32, #tpu.memory_space<vmem>>
    %dma_wait3A_80 = tpu.memref_squeeze %dma_wait3A_79 : memref<1x125xi32, #tpu.memory_space<vmem>> -> memref<125xi32, #tpu.memory_space<vmem>>
    %dma_wait3A_81 = arith.constant 0 : i32
    %dma_wait3A_82 = arith.constant 0 : i32
    %dma_wait3A_83 = tpu.memref_slice %arg7[%dma_wait3A_81, %dma_wait3A_82] : memref<10240x128xf32, #tpu.memory_space<vmem_shared>> -> memref<10240x128xf32, #tpu.memory_space<vmem_shared>>
    tpu.wait_indirect_dma semaphore(%arg14 : memref<!tpu.dma_semaphore, #tpu.memory_space<semaphore_mem>>) src(%dma_wait3A_77 : memref<125x128xf32, #tpu.memory_space<vmem>>) dst(%dma_wait3A_83 : memref<10240x128xf32, #tpu.memory_space<vmem_shared>>)
    %barrier3A_84 = arith.constant 0 : index
    tpu.barrier barrier_id(%barrier3A_84)
    %mul3A_85 = arith.constant 640 : i32
    %mul3A_86 = arith.muli %arg1, %mul3A_85 : i32
    %mul3A_87 = arith.constant 640 : i32
    %mul3A_88 = arith.muli %arg1, %mul3A_87 : i32
    "tpu.region"() ({
      %run_scoped3A = tpu.sem_alloc : memref<!tpu.dma_semaphore, #tpu.memory_space<semaphore_mem>>
      %dma_start3A_89 = arith.constant 0 : i32
      %dma_start3A_90 = tpu.memref_slice %arg6[%arg0, %mul3A_88, %dma_start3A_89] : memref<2x10240x128xf32, #tpu.memory_space<hbm>> -> memref<1x640x128xf32, #tpu.memory_space<hbm>>
      %dma_start3A_91 = tpu.memref_squeeze %dma_start3A_90 : memref<1x640x128xf32, #tpu.memory_space<hbm>> -> memref<640x128xf32, #tpu.memory_space<hbm>>
      %dma_start3A_92 = arith.constant 0 : i32
      %dma_start3A_93 = tpu.memref_slice %arg7[%mul3A_86, %dma_start3A_92] : memref<10240x128xf32, #tpu.memory_space<vmem_shared>> -> memref<640x128xf32, #tpu.memory_space<vmem_shared>>
      tpu.enqueue_dma source(%dma_start3A_93 : memref<640x128xf32, #tpu.memory_space<vmem_shared>>) target(%dma_start3A_91 : memref<640x128xf32, #tpu.memory_space<hbm>>) target_semaphore(%run_scoped3A : memref<!tpu.dma_semaphore, #tpu.memory_space<semaphore_mem>>)
      %dma_wait3A_94 = arith.constant 0 : i32
      %dma_wait3A_95 = tpu.memref_slice %arg6[%arg0, %mul3A_88, %dma_wait3A_94] : memref<2x10240x128xf32, #tpu.memory_space<hbm>> -> memref<1x640x128xf32, #tpu.memory_space<hbm>>
      %dma_wait3A_96 = tpu.memref_squeeze %dma_wait3A_95 : memref<1x640x128xf32, #tpu.memory_space<hbm>> -> memref<640x128xf32, #tpu.memory_space<hbm>>
      %dma_wait3A_97 = arith.constant 0 : i32
      %dma_wait3A_98 = tpu.memref_slice %arg7[%mul3A_86, %dma_wait3A_97] : memref<10240x128xf32, #tpu.memory_space<vmem_shared>> -> memref<640x128xf32, #tpu.memory_space<vmem_shared>>
      tpu.wait_dma2 semaphore(%run_scoped3A : memref<!tpu.dma_semaphore, #tpu.memory_space<semaphore_mem>>) src(%dma_wait3A_98 : memref<640x128xf32, #tpu.memory_space<vmem_shared>>) dst(%dma_wait3A_96 : memref<640x128xf32, #tpu.memory_space<hbm>>)
      tpu.yield
    }) : () -> ()
    return
  }
}

module attributes {stable_mosaic.version = 14 : i64} {
  func.func @_gidx_body(%arg0: memref<2500x128xi32, #tpu.memory_space<vmem>>, %arg1: memref<2500x128xi32, #tpu.memory_space<vmem>>, %arg2: memref<2500x128xi32, #tpu.memory_space<vmem>>) attributes {dimension_semantics = [], scalar_prefetch = 0 : i64, scratch_operands = 0 : i64, tpu.core_type = #tpu.core_type<tc>} {
    %get3A = arith.constant 0 : index
    %get3A_0 = arith.constant 0 : index
    %get3A_1 = vector.load %arg1[%get3A, %get3A_0] : memref<2500x128xi32, #tpu.memory_space<vmem>>, vector<2500x128xi32>
    %mul3A = arith.constant 10000 : i32
    %mul3A_2 = vector.broadcast %mul3A : i32 to vector<2500x128xi32>
    %mul3A_3 = arith.muli %get3A_1, %mul3A_2 : vector<2500x128xi32>
    %get3A_4 = arith.constant 0 : index
    %get3A_5 = arith.constant 0 : index
    %get3A_6 = vector.load %arg0[%get3A_4, %get3A_5] : memref<2500x128xi32, #tpu.memory_space<vmem>>, vector<2500x128xi32>
    %add3A = arith.addi %mul3A_3, %get3A_6 : vector<2500x128xi32>
    %swap3A = arith.constant 0 : index
    %swap3A_7 = arith.constant 0 : index
    %swap3A_8 = vector.load %arg2[%swap3A, %swap3A_7] : memref<2500x128xi32, #tpu.memory_space<vmem>>, vector<2500x128xi32>
    tpu.vector_store %arg2[%swap3A, %swap3A_7], %add3A {strides = array<i32>} : memref<2500x128xi32, #tpu.memory_space<vmem>>, vector<2500x128xi32>,
    return
  }
}

module attributes {stable_mosaic.version = 14 : i64} {
  func.func @_matmul_body(%arg0: i32, %arg1: memref<10000x128xf32, #tpu.memory_space<vmem>>, %arg2: memref<1x128x128xf32, #tpu.memory_space<vmem>>, %arg3: memref<1x10000x128xf32, #tpu.memory_space<vmem>>) attributes {dimension_semantics = [#tpu.dimension_semantics<arbitrary>], iteration_bounds = array<i64: 27>, scalar_prefetch = 0 : i64, scratch_operands = 0 : i64, tpu.core_type = #tpu.core_type<tc>, window_params = [{pipeline_mode = #tpu.pipeline_mode<synchronous>, transform_indices = @transform_0, window_bounds = array<i64: 10000, 128>}, {transform_indices = @transform_1, window_bounds = array<i64: 1, 128, 128>}, {transform_indices = @transform_2, window_bounds = array<i64: 1, 10000, 128>}]} {
    %get3A = arith.constant 0 : index
    %get3A_0 = arith.constant 0 : index
    %get3A_1 = vector.load %arg1[%get3A, %get3A_0] : memref<10000x128xf32, #tpu.memory_space<vmem>>, vector<10000x128xf32>
    %get3A_2 = arith.constant 0 : index
    %get3A_3 = arith.constant 0 : index
    %get3A_4 = arith.constant 0 : index
    %get3A_5 = vector.load %arg2[%get3A_2, %get3A_3, %get3A_4] : memref<1x128x128xf32, #tpu.memory_space<vmem>>, vector<1x128x128xf32>
    %get3A_6 = vector.shape_cast %get3A_5 : vector<1x128x128xf32> to vector<128x128xf32>
    %dot_general3A = arith.constant dense<0.000000e+00> : vector<10000x128xf32>
    %dot_general3A_7 = tpu.matmul %get3A_1, %get3A_6, %dot_general3A {dimension_numbers = #tpu.dot_dimension_numbers<[1], [0], [0], [1], [0, 0, 1, 1], [], []>, transpose_lhs_hint = false} : vector<10000x128xf32>, vector<128x128xf32>, vector<10000x128xf32> -> vector<10000x128xf32>
    %swap3A = arith.constant 0 : index
    %swap3A_8 = arith.constant 0 : index
    %swap3A_9 = arith.constant 0 : index
    %swap3A_10 = vector.load %arg3[%swap3A, %swap3A_8, %swap3A_9] : memref<1x10000x128xf32, #tpu.memory_space<vmem>>, vector<1x10000x128xf32>
    %swap3A_11 = vector.shape_cast %swap3A_10 : vector<1x10000x128xf32> to vector<10000x128xf32>
    %swap3A_12 = vector.shape_cast %dot_general3A_7 : vector<10000x128xf32> to vector<1x10000x128xf32>
    tpu.vector_store %arg3[%swap3A, %swap3A_8, %swap3A_9], %swap3A_12 {strides = array<i32>} : memref<1x10000x128xf32, #tpu.memory_space<vmem>>, vector<1x10000x128xf32>,
    return
  }
  func.func @transform_0(%arg0: i32) -> (i32, i32) {
    %c0_i32 = arith.constant 0 : i32
    %c0_i32_0 = arith.constant 0 : i32
    %c0_i32_1 = arith.constant 0 : i32
    return %c0_i32, %c0_i32_0 : i32, i32
  }
  func.func @transform_1(%arg0: i32) -> (i32, i32, i32) {
    %c0_i32 = arith.constant 0 : i32
    %c0_i32_0 = arith.constant 0 : i32
    %c0_i32_1 = arith.constant 0 : i32
    return %arg0, %c0_i32, %c0_i32_0 : i32, i32, i32
  }
  func.func @transform_2(%arg0: i32) -> (i32, i32, i32) {
    %c0_i32 = arith.constant 0 : i32
    %c0_i32_0 = arith.constant 0 : i32
    %c0_i32_1 = arith.constant 0 : i32
    return %arg0, %c0_i32, %c0_i32_0 : i32, i32, i32
  }
}

module attributes {stable_mosaic.version = 14 : i64} {
  func.func @_combine_body(%arg0: i32, %arg1: memref<2x2000x128xf32, #tpu.memory_space<vmem>>, %arg2: memref<1x128xf32, #tpu.memory_space<vmem>>, %arg3: memref<1x1xf32, #tpu.memory_space<vmem>>, %arg4: memref<2000x128xf32, #tpu.memory_space<vmem>>) attributes {dimension_semantics = [#tpu.dimension_semantics<arbitrary>], iteration_bounds = array<i64: 5>, scalar_prefetch = 0 : i64, scratch_operands = 0 : i64, tpu.core_type = #tpu.core_type<tc>, window_params = [{transform_indices = @transform_0, window_bounds = array<i64: 2, 2000, 128>}, {pipeline_mode = #tpu.pipeline_mode<synchronous>, transform_indices = @transform_1, window_bounds = array<i64: 1, 128>}, {pipeline_mode = #tpu.pipeline_mode<synchronous>, transform_indices = @transform_2, window_bounds = array<i64: 1, 1>}, {transform_indices = @transform_3, window_bounds = array<i64: 2000, 128>}]} {
    %get3A = arith.constant 0 : index
    %get3A_0 = arith.constant 0 : index
    %get3A_1 = arith.constant 0 : index
    %get3A_2 = vector.load %arg1[%get3A, %get3A_0, %get3A_1] : memref<2x2000x128xf32, #tpu.memory_space<vmem>>, vector<1x2000x128xf32>
    %get3A_3 = vector.shape_cast %get3A_2 : vector<1x2000x128xf32> to vector<2000x128xf32>
    %get3A_4 = arith.constant 1 : index
    %get3A_5 = arith.constant 0 : index
    %get3A_6 = arith.constant 0 : index
    %get3A_7 = vector.load %arg1[%get3A_4, %get3A_5, %get3A_6] : memref<2x2000x128xf32, #tpu.memory_space<vmem>>, vector<1x2000x128xf32>
    %get3A_8 = vector.shape_cast %get3A_7 : vector<1x2000x128xf32> to vector<2000x128xf32>
    %add3A = arith.addf %get3A_3, %get3A_8 : vector<2000x128xf32>
    %get3A_9 = arith.constant 0 : index
    %get3A_10 = arith.constant 0 : index
    %get3A_11 = vector.load %arg2[%get3A_9, %get3A_10] : memref<1x128xf32, #tpu.memory_space<vmem>>, vector<1x128xf32>
    %add3A_12 = vector.broadcast %get3A_11 : vector<1x128xf32> to vector<2000x128xf32>
    %add3A_13 = arith.addf %add3A, %add3A_12 : vector<2000x128xf32>
    %ge3A = arith.constant 0.000000e+00 : f32
    %ge3A_14 = vector.broadcast %ge3A : f32 to vector<2000x128xf32>
    %ge3A_15 = arith.cmpf oge, %add3A_13, %ge3A_14 : vector<2000x128xf32>
    %get3A_16 = arith.constant 0 : index
    %get3A_17 = arith.constant 0 : index
    %get3A_18 = vector.load %arg3[%get3A_16, %get3A_17] : memref<1x1xf32, #tpu.memory_space<vmem>>, vector<1x1xf32>
    %get3A_19 = vector.extract %get3A_18[0, 0] : f32 from vector<1x1xf32>
    %mul3A = vector.broadcast %get3A_19 : f32 to vector<2000x128xf32>
    %mul3A_20 = arith.mulf %mul3A, %add3A_13 : vector<2000x128xf32>
    %select_n3A = arith.select %ge3A_15, %add3A_13, %mul3A_20 : vector<2000x128xi1>, vector<2000x128xf32>
    %swap3A = arith.constant 0 : index
    %swap3A_21 = arith.constant 0 : index
    %swap3A_22 = vector.load %arg4[%swap3A, %swap3A_21] : memref<2000x128xf32, #tpu.memory_space<vmem>>, vector<2000x128xf32>
    tpu.vector_store %arg4[%swap3A, %swap3A_21], %select_n3A {strides = array<i32>} : memref<2000x128xf32, #tpu.memory_space<vmem>>, vector<2000x128xf32>,
    return
  }
  func.func @transform_0(%arg0: i32) -> (i32, i32, i32) {
    %c0_i32 = arith.constant 0 : i32
    %c0_i32_0 = arith.constant 0 : i32
    %c0_i32_1 = arith.constant 0 : i32
    return %c0_i32, %arg0, %c0_i32_0 : i32, i32, i32
  }
  func.func @transform_1(%arg0: i32) -> (i32, i32) {
    %c0_i32 = arith.constant 0 : i32
    %c0_i32_0 = arith.constant 0 : i32
    %c0_i32_1 = arith.constant 0 : i32
    return %c0_i32, %c0_i32_0 : i32, i32
  }
  func.func @transform_2(%arg0: i32) -> (i32, i32) {
    %c0_i32 = arith.constant 0 : i32
    %c0_i32_0 = arith.constant 0 : i32
    %c0_i32_1 = arith.constant 0 : i32
    return %c0_i32, %c0_i32_0 : i32, i32
  }
  func.func @transform_3(%arg0: i32) -> (i32, i32) {
    %c0_i32 = arith.constant 0 : i32
    %c0_i32_0 = arith.constant 0 : i32
    return %arg0, %c0_i32 : i32, i32
  }
}

module attributes {stable_mosaic.version = 14 : i64} {
  func.func @_final_body(%arg0: i32, %arg1: memref<2x2000x128xf32, #tpu.memory_space<vmem>>, %arg2: memref<2000x128xf32, #tpu.memory_space<vmem>>, %arg3: memref<1x128xf32, #tpu.memory_space<vmem>>, %arg4: memref<1x1xf32, #tpu.memory_space<vmem>>, %arg5: memref<2000x128xf32, #tpu.memory_space<vmem>>) attributes {dimension_semantics = [#tpu.dimension_semantics<arbitrary>], iteration_bounds = array<i64: 5>, scalar_prefetch = 0 : i64, scratch_operands = 0 : i64, tpu.core_type = #tpu.core_type<tc>, window_params = [{transform_indices = @transform_0, window_bounds = array<i64: 2, 2000, 128>}, {transform_indices = @transform_1, window_bounds = array<i64: 2000, 128>}, {pipeline_mode = #tpu.pipeline_mode<synchronous>, transform_indices = @transform_2, window_bounds = array<i64: 1, 128>}, {pipeline_mode = #tpu.pipeline_mode<synchronous>, transform_indices = @transform_3, window_bounds = array<i64: 1, 1>}, {transform_indices = @transform_4, window_bounds = array<i64: 2000, 128>}]} {
    %get3A = arith.constant 0 : index
    %get3A_0 = arith.constant 0 : index
    %get3A_1 = arith.constant 0 : index
    %get3A_2 = vector.load %arg1[%get3A, %get3A_0, %get3A_1] : memref<2x2000x128xf32, #tpu.memory_space<vmem>>, vector<1x2000x128xf32>
    %get3A_3 = vector.shape_cast %get3A_2 : vector<1x2000x128xf32> to vector<2000x128xf32>
    %get3A_4 = arith.constant 1 : index
    %get3A_5 = arith.constant 0 : index
    %get3A_6 = arith.constant 0 : index
    %get3A_7 = vector.load %arg1[%get3A_4, %get3A_5, %get3A_6] : memref<2x2000x128xf32, #tpu.memory_space<vmem>>, vector<1x2000x128xf32>
    %get3A_8 = vector.shape_cast %get3A_7 : vector<1x2000x128xf32> to vector<2000x128xf32>
    %add3A = arith.addf %get3A_3, %get3A_8 : vector<2000x128xf32>
    %get3A_9 = arith.constant 0 : index
    %get3A_10 = arith.constant 0 : index
    %get3A_11 = vector.load %arg3[%get3A_9, %get3A_10] : memref<1x128xf32, #tpu.memory_space<vmem>>, vector<1x128xf32>
    %add3A_12 = vector.broadcast %get3A_11 : vector<1x128xf32> to vector<2000x128xf32>
    %add3A_13 = arith.addf %add3A, %add3A_12 : vector<2000x128xf32>
    %get3A_14 = arith.constant 0 : index
    %get3A_15 = arith.constant 0 : index
    %get3A_16 = vector.load %arg2[%get3A_14, %get3A_15] : memref<2000x128xf32, #tpu.memory_space<vmem>>, vector<2000x128xf32>
    %add3A_17 = arith.addf %add3A_13, %get3A_16 : vector<2000x128xf32>
    %ge3A = arith.constant 0.000000e+00 : f32
    %ge3A_18 = vector.broadcast %ge3A : f32 to vector<2000x128xf32>
    %ge3A_19 = arith.cmpf oge, %add3A_17, %ge3A_18 : vector<2000x128xf32>
    %get3A_20 = arith.constant 0 : index
    %get3A_21 = arith.constant 0 : index
    %get3A_22 = vector.load %arg4[%get3A_20, %get3A_21] : memref<1x1xf32, #tpu.memory_space<vmem>>, vector<1x1xf32>
    %get3A_23 = vector.extract %get3A_22[0, 0] : f32 from vector<1x1xf32>
    %mul3A = vector.broadcast %get3A_23 : f32 to vector<2000x128xf32>
    %mul3A_24 = arith.mulf %mul3A, %add3A_17 : vector<2000x128xf32>
    %select_n3A = arith.select %ge3A_19, %add3A_17, %mul3A_24 : vector<2000x128xi1>, vector<2000x128xf32>
    %swap3A = arith.constant 0 : index
    %swap3A_25 = arith.constant 0 : index
    %swap3A_26 = vector.load %arg5[%swap3A, %swap3A_25] : memref<2000x128xf32, #tpu.memory_space<vmem>>, vector<2000x128xf32>
    tpu.vector_store %arg5[%swap3A, %swap3A_25], %select_n3A {strides = array<i32>} : memref<2000x128xf32, #tpu.memory_space<vmem>>, vector<2000x128xf32>,
    return
  }
  func.func @transform_0(%arg0: i32) -> (i32, i32, i32) {
    %c0_i32 = arith.constant 0 : i32
    %c0_i32_0 = arith.constant 0 : i32
    %c0_i32_1 = arith.constant 0 : i32
    return %c0_i32, %arg0, %c0_i32_0 : i32, i32, i32
  }
  func.func @transform_1(%arg0: i32) -> (i32, i32) {
    %c0_i32 = arith.constant 0 : i32
    %c0_i32_0 = arith.constant 0 : i32
    return %arg0, %c0_i32 : i32, i32
  }
  func.func @transform_2(%arg0: i32) -> (i32, i32) {
    %c0_i32 = arith.constant 0 : i32
    %c0_i32_0 = arith.constant 0 : i32
    %c0_i32_1 = arith.constant 0 : i32
    return %c0_i32, %c0_i32_0 : i32, i32
  }
  func.func @transform_3(%arg0: i32) -> (i32, i32) {
    %c0_i32 = arith.constant 0 : i32
    %c0_i32_0 = arith.constant 0 : i32
    %c0_i32_1 = arith.constant 0 : i32
    return %c0_i32, %c0_i32_0 : i32, i32
  }
  func.func @transform_4(%arg0: i32) -> (i32, i32) {
    %c0_i32 = arith.constant 0 : i32
    %c0_i32_0 = arith.constant 0 : i32
    return %arg0, %c0_i32 : i32, i32
  }
}

</mosaic_0001>

<sc_bundles>
// kernel: kernel.12.cloned.1.call-start
scs
__scs_entry_jumppad:
0x0: {  	(pc) =	sbr.rel $0x88, $3  }
0x1: {  	(tag) =	ssettag $0x0;
	lr =	simm.s32 $0x1  }
0x2: {  	[smem:$0x3F98] =	sst lr;
	_ =	strace $0xD0000000  }
0x3: {  	_ = 	snop  }
0x4: {  	_ = 	snop  }
0x5: {  	_ = 	snop  }
0x6: {  	_ = 	snop  }
0x7: {  	_ = 	snop  }
__scs_overlays_trampoline_lowered:
0x8: {  	[smem:$0x3FA7] =	sst s0  }
0x9: {  	[smem:$0x3FA8] =	sst s1  }
0xa: {  	[smem:$0x3FA9] =	sst s2  }
0xb: {  	[smem:$0x3FAA] =	sst s3  }
0xc: {  	[smem:$0x3FAB] =	sst s4  }
0xd: {  	[smem:$0x3FAC] =	sst s5  }
0xe: {  	[smem:$0x3FAD] =	sst s6  }
0xf: {  	[smem:$0x3FAE] =	sst s7  }
0x10: {  	[smem:$0x3FAF] =	sst s8  }
0x11: {  	[smem:$0x3FB0] =	sst s9;
	s0 =	simm.s32 @!p0 $0x0  }
0x12: {  	s1 =	sld [smem:$0x3F96];
	s0 =	simm.s32 @p0 $0x1  }
0x13: {  	[smem:$0x3FB1] =	sst s0;
	s0 =	simm.s32 @!p1 $0x0  }
0x14: {  	s2 =	sld [smem:$0x3F95];
	s0 =	simm.s32 @p1 $0x1  }
0x15: {  	[smem:$0x3FB2] =	sst s0;
	s0 =	simm.s32 @!p2 $0x0  }
0x16: {  	s3 =	sld [smem:$0x3FDB];
	s0 =	simm.s32 @p2 $0x1  }
0x17: {  	s4 =	simm.s32 $0x1BF5;
	[smem:$0x3FB4] =	sst s0  }
0x18: {  	s0 =	sld [smem:$0x3F97];
	_ =	swait.ge [sflag:s4], $0x0  }
0x19: {  	s7 =	sld [smem:$0x3F98]  }
0x1a: {  	s8 =	sadd.s32 $0xFFFFE003, lr  }
0x1b: {  	s9 =	sadd.s32 $0xFFFFFEF7, lr;
	s5 =	simm.s32 $0xFFFFFFFF;
	p2 =	slt.u32 s8, $0xFFFFF086  }
0x1c: {  	p1 =	slt.u32 s9, $0xF7A;
	s5 =	simm.s32 @!p2 $0x0  }
0x1d: {  	s5 =	simm.s32 @p1 $0x1;
	p0 =	seq.s32 s7, s2  }
0x1e: {  	s7 =	smul.u32 @!p0 $0xF7A, s2;
	p2 =	seq.s32 @!p0 s5, $0x0  }
0x1f: {  	s9 =	smul.u32 $0xF7A, s1;
	s8 =	simm.s32 @!p0 $0x1BF5;
	p2 =	por !p2, p0  }
0x20: {  	[sflag:s8] =	ssyncset.s32 @!p0 $0xFFFFF086;
	s6 =	sadd.s32 @!p0 s3, s7;
	s7 =	simm.s32 @!p0 $0x108  }
0x21: {  	s3 =	sadd.s32 s3, s9;
	s6 =	sadd.s32 @!p0 $0x88, s6;
	s7 =	simm.s32 @p2 $0x1082  }
0x22: {  	[simem:s7], [sflag:s8] =	dma.local @!p0 [hbm:s6], $0xF7A  }
0x23: {  	s9 =	sor.u32 $0xD0000000, s2;
	s6 =	simm.s32 $0x108;
	_ =	swait.ge @!p0 [sflag:s8], $0x0  }
0x24: {  	s3 =	sadd.s32 $0x88, s3;
	s6 =	simm.s32 @!p1 $0x1082;
	[sflag:s4] =	ssyncset.s32 $0xFFFFF086  }
0x25: {  	[simem:s6], [sflag:s4] =	dma.local [hbm:s3], $0xF7A  }
0x26: {  	[smem:$0x3F98] =	sst s1;
	(tag) =	ssettag s2;
	_ =	strace s9  }
0x27: {  	s1 =	sld [smem:$0x3FA8]  }
0x28: {  	s2 =	sld [smem:$0x3FA9]  }
0x29: {  	s4 =	sld [smem:$0x3FAB]  }
0x2a: {  	p0 =	seq.s32 s5, $0x0;
	s5 =	sld [smem:$0x3FAC]  }
0x2b: {  	s6 =	sld [smem:$0x3FAD]  }
0x2c: {  	s7 =	sld [smem:$0x3FAE]  }
0x2d: {  	s3 =	simm.s32 $0x108;
	s8 =	sld [smem:$0x3FAF]  }
0x2e: {  	s3 =	simm.s32 @!p0 $0x1082;
	s9 =	sld [smem:$0x3FB0]  }
0x2f: {  	lr =	sadd.s32 s0, s3;
	s0 =	sld [smem:$0x3FA7]  }
0x30: {  	s3 =	sld [smem:$0x3FAA]  }
0x31: {  	[smem:$0x3FB3] =	sst s10  }
0x32: {  	s10 =	sld [smem:$0x3FB1];
	_ =	sdelay $0x3  }
0x33: {  	p0 =	seq.s32 s10, $0x1;
	s10 =	sld [smem:$0x3FB3];
	_ =	sdelay $0x3  }
0x34: {  	[smem:$0x3FB3] =	sst s10  }
0x35: {  	s10 =	sld [smem:$0x3FB2];
	_ =	sdelay $0x3  }
0x36: {  	p1 =	seq.s32 s10, $0x1;
	s10 =	sld [smem:$0x3FB3];
	_ =	sdelay $0x3  }
0x37: {  	[smem:$0x3FB3] =	sst s10  }
0x38: {  	s10 =	sld [smem:$0x3FB4]  }
0x39: {  	_ = 	snop;
	(pc) =	sbr.ind lr, $3  }
0x3a: {  	_ = 	snop  }
0x3b: {  	_ = 	snop  }
0x3c: {  	p2 =	seq.s32 s10, $0x1;
	s10 =	sld [smem:$0x3FB3]  }
0x3d: {  	_ =	shalt  }
0x3e: {  	_ =	shalt  }
0x3f: {  	_ =	shalt  }
0x40: {  	_ =	shalt  }
0x41: {  	_ =	shalt  }
0x42: {  	_ =	shalt  }
0x43: {  	_ =	shalt  }
0x44: {  	_ =	shalt  }
0x45: {  	_ =	shalt  }
0x46: {  	_ =	shalt  }
0x47: {  	_ =	shalt  }
0x48: {  	_ =	shalt  }
0x49: {  	_ =	shalt  }
0x4a: {  	_ =	shalt  }
0x4b: {  	_ =	shalt  }
0x4c: {  	_ =	shalt  }
0x4d: {  	_ =	shalt  }
0x4e: {  	_ =	shalt  }
0x4f: {  	_ =	shalt  }
0x50: {  	_ =	shalt  }
0x51: {  	_ =	shalt  }
0x52: {  	_ =	shalt  }
0x53: {  	_ =	shalt  }
0x54: {  	_ =	shalt  }
0x55: {  	_ =	shalt  }
0x56: {  	_ =	shalt  }
0x57: {  	_ =	shalt  }
0x58: {  	_ =	shalt  }
0x59: {  	_ =	shalt  }
0x5a: {  	_ =	shalt  }
0x5b: {  	_ =	shalt  }
0x5c: {  	_ =	shalt  }
0x5d: {  	_ =	shalt  }
0x5e: {  	_ =	shalt  }
0x5f: {  	_ =	shalt  }
0x60: {  	_ =	shalt  }
0x61: {  	_ =	shalt  }
0x62: {  	_ =	shalt  }
0x63: {  	_ =	shalt  }
0x64: {  	_ =	shalt  }
0x65: {  	_ =	shalt  }
0x66: {  	_ =	shalt  }
0x67: {  	_ =	shalt  }
0x68: {  	_ =	shalt  }
0x69: {  	_ =	shalt  }
0x6a: {  	_ =	shalt  }
0x6b: {  	_ =	shalt  }
0x6c: {  	_ =	shalt  }
0x6d: {  	_ =	shalt  }
0x6e: {  	_ =	shalt  }
0x6f: {  	_ =	shalt  }
0x70: {  	_ =	shalt  }
0x71: {  	_ =	shalt  }
0x72: {  	_ =	shalt  }
0x73: {  	_ =	shalt  }
0x74: {  	_ =	shalt  }
0x75: {  	_ =	shalt  }
0x76: {  	_ =	shalt  }
0x77: {  	_ =	shalt  }
0x78: {  	_ =	shalt  }
0x79: {  	_ =	shalt  }
0x7a: {  	_ =	shalt  }
0x7b: {  	_ =	shalt  }
0x7c: {  	_ =	shalt  }
0x7d: {  	_ =	shalt  }
0x7e: {  	_ =	shalt  }
0x7f: {  	_ =	shalt  }
0x80: {  	_ =	shalt  }
0x81: {  	_ =	shalt  }
0x82: {  	_ =	shalt  }
0x83: {  	_ =	shalt  }
0x84: {  	_ =	shalt  }
0x85: {  	_ =	shalt  }
0x86: {  	_ =	shalt  }
0x87: {  	_ =	shalt  }
.Lfunc_end0:
.L_simem_size_0:
called_computation.1_lowered:
.L_overlay_start_0:
0x88: {  	s2 =	sld [smem:$0x3FD9]  }
0x89: {  	s3 =	sld [smem:$0x3FFE];
	_ =	sdelay $0x1  }
0x8a: {  	s1 =	srdreg.scid  }
0x8b: {  	s0 =	sand.u32 $0x1, s1  }
0x8c: {  	s17 =	sshll.u32 s0, $0xA;
	s2 =	sadd.s32 s3, s2  }
0x8d: {  	s2 =	sadd.s32 s2, s17  }
0x8e: {  	[smem:$0x3FBF] =	sst s2  }
0x8f: {  	_ = 	snop  }
0x90: {  	s2 =	sld [smem:$0x3FD0];
	(tm) =	ssettm $0x1  }
0x91: {  	s18 =	sld [smem:$0x3FFB];
	_ =	sdelay $0x3  }
0x92: {  	_ =	strace s18  }
0x93: {  	s3 =	sld [smem:$0x3FFC];
	_ =	sdelay $0x3  }
0x94: {  	_ =	strace s3  }
0x95: {  	s3 =	sld [smem:$0x3FFD];
	_ =	sdelay $0x3  }
0x96: {  	_ =	strace s3  }
0x97: {  	_ =	strace $0x8FFFFFFF  }
0x98: {  	s19 =	sld [smem:$0x3FDB];
	_ =	sdelay $0x1  }
0x99: {  	s4 =	simm.s32 $_scs_section_size  }
0x9a: {  	s5 =	simm.s32 $_size__tile_overlayer_lowered;
	s6 =	simm.s32 $_tile_overlayer_lowered  }
0x9b: {  	s22 =	simm.s32 $0x1BFF;
	s21 =	sshll.u32 s6, $0x1;
	s3 =	sadd.s32 s4, s19  }
0x9c: {  	s7 =	simm.s32 $0x0;
	s20 =	sshll.u32 s5, $0x1;
	s5 =	sadd.s32 s21, s3  }
0x9d: {  	[timem:s7], [sflag:s22] =	dma.local [hbm:s5], s20  }
0x9e: {  	_ =	swait.ge [sflag:s22], s20  }
0x9f: {  	s4 =	ssub.s32 $0x0, s20;
	[sflag:s22] =	ssyncset.done $0x0  }
0xa0: {  	[sflag:s22] =	ssyncadd.s32 s4;
	_ =	sdelay $0x1  }
0xa1: {  	s23 =	simm.s32 $0x1B8B  }
0xa2: {  	_ =	swait.ge [sflag:s23], $0x1  }
0xa3: {  	[sflag:s23] =	ssyncset.done $0x0  }
0xa4: {  	s25 =	simm.s32 $0x1B8E;
	s24 =	sld [smem:$0x3FFE];
	[sflag:s23] =	ssyncadd.s32 $0xFFFFFFFF  }
0xa5: {  	s26 =	simm.s32 $execute0_lowered;
	[smem:$0x3FD2] =	sst s25  }
0xa6: {  	s5 =	sshll.u32 s26, $0x1;
	_ =	strace $0x80000049;
	[dreg:$0x1] =	wrdreg $0xFFFFFFFF  }
0xa7: {  	s28 =	simm.s32 $_size_execute0_lowered;
	s3 =	sadd.s32 s3, s5;
	[dreg:$0x0] =	wrdreg $0x0  }
0xa8: {  	s5 =	sshll.u32 s28, $0x1;
	[dreg:$0x2] =	wrdreg s3  }
0xa9: {  	[dreg:$0x3] =	wrdreg s5  }
0xaa: {  	[dreg:$0x4] =	wrdreg $0xC0  }
0xab: {  	_ =	task [dreg:s7], $0x5FFFF  }
0xac: {  	[dreg:$0x1] =	wrdreg $0xFFFFFFFF  }
0xad: {  	[dreg:$0x0] =	wrdreg $0x60  }
0xae: {  	[dreg:$0x2] =	wrdreg s24  }
0xaf: {  	[dreg:$0x3] =	wrdreg s2  }
0xb0: {  	[dreg:$0x4] =	wrdreg $0x0  }
0xb1: {  	[dreg:$0x5] =	wrdreg $0x9  }
0xb2: {  	_ =	task.clear_ibuf [dreg:s7], $0x6FFFF;
	_ =	strace $0x90000049  }
0xb3: {  	s29 =	simm.s32 $0x9;
	_ =	strace $0x8000004B  }
0xb4: {  	_ =	swait.ge [sflag:s29], $0x1  }
0xb5: {  	[sflag:s29] =	ssyncadd.s32 $0xFFFFFFFF  }
0xb6: {  	_ =	strace $0x9000004B  }
0xb7: {  	_ =	sfence  }
0xb8: {  	s30 =	sld [smem:$0x0];
	_ =	sdelay $0x2  }
0xb9: {  	s31 =	sshll.u32 s1, $0xD;
	s1 =	sshrl.u32 s1, $0x2  }
0xba: {  	s3 =	sand.u32 $0x4000, s31;
	s1 =	sadd.s32 s1, s30  }
0xbb: {  	s0 =	sor.u32 s3, s0;
	s1 =	sshll.u32 s1, $0x11  }
0xbc: {  	s0 =	sor.u32 s1, s0  }
0xbd: {  	s0 =	sadd.s32 $0x8F2B, s0  }
0xbe: {  	[sflag:s0] =	ssyncadd.remote.s32 $0x1  }
0xbf: {  	_ =	sfence.sel $0xFFFF  }
0xc0: {  	[dreg:$0x0] =	wrdreg $0xFFFFFFFF;
	(pc) =	sbr.abs _section_cstart, $3  }
0xc1: {  	[dreg:$0x1] =	wrdreg $0xFFFFFFFF  }
0xc2: {  	_ =	task.clear_ibuf [dreg:s7], $0x2FFFF;
	_ =	strace $0x9FFFFFFF  }
0xc3: {  	(tm) =	ssettm $0x7FFFFFFF  }
tec
execute0_lowered:
.L_overlay_start_1:
0x0: {  	(tag) =	ssettag $0x1  }
0x1: {  	s6 =	rddreg [dreg:$0x0]  }
0x2: {  	s9 =	rddreg [dreg:$0x1]  }
0x3: {  	s1 =	rddreg [dreg:$0x2]  }
0x4: {  	s2 =	srdreg.scid;
	s0 =	rddreg [dreg:$0x3]  }
0x5: {  	s3 =	simm.s32 $0x0;
	s15 =	simm.s32 $0x14000;
	s16 =	simm.s32 $0x15400  }
0x6: {  	s17 =	simm.s32 $0x7D;
	s18 =	simm.s32 $0x16800;
	s19 =	simm.s32 $0x1  }
0x7: {  	s20 =	simm.s32 $0x14080;
	s21 =	simm.s32 $0x1A800;
	s28 =	simm.s32 $0x0  }
0x8: {  	s5 =	sand.u32 $0x1, s2;
	s2 =	stileid.u32;
	[smem:$0x7FF] =	sst s3  }
0x9: {  	s4 =	sadd.s32 $0xBE00, s6;
	s10 =	sadd.s32 $0x1E00, s6;
	s7 =	smul.u32 $0x140000, s5  }
0xa: {  	s8 =	smul.u32 $0x14000, s2;
	_ =	strace $0x8000004A;
	s22 =	sshll.u32 s5, $0x4  }
0xb: {  	s11 =	ssub.s32 $0x2, s5;
	s24 =	smul.u32 $0x50000, s2;
	s5 =	sadd.s32 $0x42AA00, s6  }
0xc: {  	s26 =	sshll.u32 s2, $0x6;
	s23 =	sor.u32 s2, s22;
	s12 =	sshrl.u32 s11, $0x1  }
0xd: {  	s22 =	simm.s32 $0x2;
	s7 =	sadd.s32 s8, s7;
	s13 =	smul.u32 $0x2800, s23  }
0xe: {  	s12 =	ssub.s32 s11, s12;
	s25 =	sshrl.u32 s24, $0x2;
	s23 =	simm.s32 $0x15480  }
0xf: {  	s24 =	simm.s32 $0x3;
	s7 =	sshrl.u32 s7, $0x3;
	s30 =	sadd.s32 s25, s1  }
.Ltmp0:
0x10: {  	s12 =	smax.u32 s12, $0x1;
	s25 =	simm.s32 $0x14100;
	(pc) =	sbr.rel .LBB2_1-.Ltmp0, $4  }
0x11: {  	s14 =	sadd.s32 s7, s6;
	s29 =	sshrl.u32 s13, $0x3;
	s6 =	sor.u32 $0x1C05, s26  }
0x12: {  	s13 =	sshrl.u32 s30, $0x3;
	s26 =	simm.s32 $0x4;
	s31 =	sadd.s32 $0x280, s29  }
0x13: {  	s7 =	sadd.s32 s9, s29;
	s8 =	sadd.s32 s10, s29;
	s11 =	sadd.s32 $0x42D200, s14  }
0x14: {  	s14 =	simm.s32 $0x5;
	s9 =	sadd.s32 s9, s31;
	s10 =	sadd.s32 s10, s31  }
.LBB2_7:
0x15: {  	_ =	swait.ge [sflag:s26], $0x3E80  }
0x16: {  	s28 =	sadd.s32 $0x1, s28;
	[sflag:s26] =	ssyncset.done $0x0  }
0x17: {  	p0 =	sne.s32 s28, s12;
	[sflag:s26] =	ssyncadd.s32 $0xFFFFC180  }
.Ltmp1:
0x18: {  	[bflag:$0x0] =	sbarrier.arrive $0xFFFF;
	(pc) =	sbr.rel @!p0 .LBB2_8-.Ltmp1, $4  }
0x19: {  	[hbm:s11], [sflag:s6] =	dma.local [spmem:s13], $0x2800  }
0x1a: {  	_ =	swait.ge [sflag:s14], $0x2800  }
0x1b: {  	[sflag:s14] =	ssyncset.done $0x0  }
0x1c: {  	[sflag:s14] =	ssyncadd.s32 $0xFFFFD800  }
.LBB2_1:
0x1d: {  	[spmem:s13], [sflag:s6] =	dma.local [hbm:s5], $0x2800  }
0x1e: {  	_ =	swait.ge [sflag:s14], $0x2800  }
0x1f: {  	[sflag:s14] =	ssyncset.done $0x0  }
0x20: {  	[sflag:s14] =	ssyncadd.s32 $0xFFFFD800  }
0x21: {  	[bflag:$0x0] =	sbarrier.arrive $0xFFFF  }
0x22: {  	[tilespmem:s15], [sflag:$0x5] =	stream.linear.gather [hbm4b:s7+s3], $0x1400, $0x38;
	[tilespmem:$0x1E800] =	vst v63  }
0x23: {  	_ =	swait.ge [sflag:s14], $0x1400  }
0x24: {  	[sflag:s14] =	ssyncset.done $0x0  }
0x25: {  	[sflag:s14] =	ssyncadd.s32 $0xFFFFEC00  }
0x26: {  	[tilespmem:s16], [sflag:$0x5] =	stream.linear.gather [hbm4b:s8+s3], $0x1400, $0x38;
	[tilespmem:$0x1E800] =	vst v63  }
0x27: {  	_ =	swait.ge [sflag:s14], $0x1400  }
0x28: {  	[sflag:s14] =	ssyncset.done $0x0  }
0x29: {  	[sflag:s14] =	ssyncadd.s32 $0xFFFFEC00  }
0x2a: {  	[tilespmem:s18], [sflag:$0x1] =	stream.indirect.gather [hbm4b:s4+s17], $0x80, s15, s17, $0xb8;
	[tilespmem:$0x1E800] =	vst v63  }
0x2b: {  	_ =	swait.ge [sflag:s19], $0x3E80  }
0x2c: {  	[sflag:s19] =	ssyncset.done $0x0  }
0x2d: {  	[sflag:s19] =	ssyncadd.s32 $0xFFFFC180  }
0x2e: {  	[spmem:s1] =	stream.indirect.scatter.add.f32 [tilespmem:s18], [sflag:$0x3], $0x80, s16, s17, $0xb8;
	[tilespmem:$0x1E800] =	vst v63  }
0x2f: {  	_ = 	snop  }
0x30: {  	[tilespmem:s21], [sflag:$0x2] =	stream.indirect.gather [hbm4b:s4+s17], $0x80, s20, s17, $0xb8;
	[tilespmem:$0x1E800] =	vst v63  }
0x31: {  	_ =	swait.ge [sflag:s22], $0x3E80  }
0x32: {  	[sflag:s22] =	ssyncset.done $0x0  }
0x33: {  	[sflag:s22] =	ssyncadd.s32 $0xFFFFC180  }
0x34: {  	[spmem:s1] =	stream.indirect.scatter.add.f32 [tilespmem:s21], [sflag:$0x4], $0x80, s23, s17, $0xb8;
	[tilespmem:$0x1E800] =	vst v63  }
0x35: {  	_ =	swait.ge [sflag:s24], $0x3E80  }
0x36: {  	[sflag:s24] =	ssyncset.done $0x0  }
0x37: {  	s29 =	simm.s32 $0xFFFFB800;
	[sflag:s24] =	ssyncadd.s32 $0xFFFFC180  }
0x38: {  	[tilespmem:s18], [sflag:$0x1] =	stream.indirect.gather [hbm4b:s4+s17], $0x80, s25, s17, $0xb8;
	[tilespmem:$0x1E800] =	vst v63  }
.LBB2_2:
0x39: {  	_ =	swait.ge [sflag:s19], $0x3E80  }
0x3a: {  	s30 =	sshra.s32 s29, $0x2;
	[sflag:s19] =	ssyncset.done $0x0  }
0x3b: {  	s31 =	sadd.s32 $0x16700, s30;
	[sflag:s19] =	ssyncadd.s32 $0xFFFFC180  }
0x3c: {  	[spmem:s1] =	stream.indirect.scatter.add.f32 [tilespmem:s18], [sflag:$0x3], $0x80, s31, s17, $0xb8;
	[tilespmem:$0x1E800] =	vst v63  }
0x3d: {  	_ =	swait.ge [sflag:s26], $0x3E80  }
0x3e: {  	[sflag:s26] =	ssyncset.done $0x0  }
0x3f: {  	s31 =	sadd.s32 $0x15380, s30;
	[sflag:s26] =	ssyncadd.s32 $0xFFFFC180  }
0x40: {  	[tilespmem:s21], [sflag:$0x2] =	stream.indirect.gather [hbm4b:s4+s17], $0x80, s31, s17, $0xb8;
	[tilespmem:$0x1E800] =	vst v63  }
0x41: {  	_ =	swait.ge [sflag:s22], $0x3E80  }
0x42: {  	p0 =	seq.s32 s29, $0x0;
	[sflag:s22] =	ssyncset.done $0x0  }
.Ltmp2:
0x43: {  	s31 =	sadd.s32 $0x16780, s30;
	[sflag:s22] =	ssyncadd.s32 $0xFFFFC180;
	(pc) =	sbr.rel @p0 .LBB2_4-.Ltmp2, $4  }
0x44: {  	[spmem:s1] =	stream.indirect.scatter.add.f32 [tilespmem:s21], [sflag:$0x4], $0x80, s31, s17, $0xb8;
	[tilespmem:$0x1E800] =	vst v63  }
0x45: {  	_ =	swait.ge [sflag:s24], $0x3E80  }
0x46: {  	[sflag:s24] =	ssyncset.done $0x0  }
0x47: {  	[sflag:s24] =	ssyncadd.s32 $0xFFFFC180  }
.Ltmp3:
0x48: {  	(pc) =	sbr.rel .LBB2_2-.Ltmp3, $3  }
0x49: {  	_ =	sdelay $0x1  }
0x4a: {  	s30 =	sadd.s32 $0x15400, s30;
	s29 =	sadd.s32 $0x400, s29  }
0x4b: {  	[tilespmem:s18], [sflag:$0x1] =	stream.indirect.gather [hbm4b:s4+s17], $0x80, s30, s17, $0xb8;
	[tilespmem:$0x1E800] =	vst v63  }
.LBB2_4:
0x4c: {  	_ =	swait.ge [sflag:s26], $0x3E80  }
0x4d: {  	[sflag:s26] =	ssyncset.done $0x0  }
0x4e: {  	[sflag:s26] =	ssyncadd.s32 $0xFFFFC180  }
0x4f: {  	[tilespmem:s15], [sflag:$0x5] =	stream.linear.gather [hbm4b:s9+s3], $0x1400, $0x38;
	[tilespmem:$0x1E800] =	vst v63  }
0x50: {  	_ =	swait.ge [sflag:s14], $0x1400  }
0x51: {  	[sflag:s14] =	ssyncset.done $0x0  }
0x52: {  	[sflag:s14] =	ssyncadd.s32 $0xFFFFEC00  }
0x53: {  	[tilespmem:s16], [sflag:$0x5] =	stream.linear.gather [hbm4b:s10+s3], $0x1400, $0x38;
	[tilespmem:$0x1E800] =	vst v63  }
0x54: {  	_ =	swait.ge [sflag:s14], $0x1400  }
0x55: {  	[sflag:s14] =	ssyncset.done $0x0  }
0x56: {  	[sflag:s14] =	ssyncadd.s32 $0xFFFFEC00  }
0x57: {  	[tilespmem:s18], [sflag:$0x1] =	stream.indirect.gather [hbm4b:s4+s17], $0x80, s15, s17, $0xb8;
	[tilespmem:$0x1E800] =	vst v63  }
0x58: {  	_ =	swait.ge [sflag:s19], $0x3E80  }
0x59: {  	[sflag:s19] =	ssyncset.done $0x0  }
0x5a: {  	[sflag:s19] =	ssyncadd.s32 $0xFFFFC180  }
0x5b: {  	[spmem:s1] =	stream.indirect.scatter.add.f32 [tilespmem:s18], [sflag:$0x3], $0x80, s16, s17, $0xb8;
	[tilespmem:$0x1E800] =	vst v63  }
0x5c: {  	_ = 	snop  }
0x5d: {  	[tilespmem:s21], [sflag:$0x2] =	stream.indirect.gather [hbm4b:s4+s17], $0x80, s20, s17, $0xb8;
	[tilespmem:$0x1E800] =	vst v63  }
0x5e: {  	_ =	swait.ge [sflag:s22], $0x3E80  }
0x5f: {  	[sflag:s22] =	ssyncset.done $0x0  }
0x60: {  	[sflag:s22] =	ssyncadd.s32 $0xFFFFC180  }
0x61: {  	[spmem:s1] =	stream.indirect.scatter.add.f32 [tilespmem:s21], [sflag:$0x4], $0x80, s23, s17, $0xb8;
	[tilespmem:$0x1E800] =	vst v63  }
0x62: {  	_ =	swait.ge [sflag:s24], $0x3E80  }
0x63: {  	[sflag:s24] =	ssyncset.done $0x0  }
0x64: {  	s29 =	simm.s32 $0xFFFFB800;
	[sflag:s24] =	ssyncadd.s32 $0xFFFFC180  }
0x65: {  	[tilespmem:s18], [sflag:$0x1] =	stream.indirect.gather [hbm4b:s4+s17], $0x80, s25, s17, $0xb8;
	[tilespmem:$0x1E800] =	vst v63  }
.LBB2_5:
0x66: {  	_ =	swait.ge [sflag:s19], $0x3E80  }
0x67: {  	s30 =	sshra.s32 s29, $0x2;
	[sflag:s19] =	ssyncset.done $0x0  }
0x68: {  	s31 =	sadd.s32 $0x16700, s30;
	[sflag:s19] =	ssyncadd.s32 $0xFFFFC180  }
0x69: {  	[spmem:s1] =	stream.indirect.scatter.add.f32 [tilespmem:s18], [sflag:$0x3], $0x80, s31, s17, $0xb8;
	[tilespmem:$0x1E800] =	vst v63  }
0x6a: {  	_ =	swait.ge [sflag:s26], $0x3E80  }
0x6b: {  	[sflag:s26] =	ssyncset.done $0x0  }
0x6c: {  	s31 =	sadd.s32 $0x15380, s30;
	[sflag:s26] =	ssyncadd.s32 $0xFFFFC180  }
0x6d: {  	[tilespmem:s21], [sflag:$0x2] =	stream.indirect.gather [hbm4b:s4+s17], $0x80, s31, s17, $0xb8;
	[tilespmem:$0x1E800] =	vst v63  }
0x6e: {  	_ =	swait.ge [sflag:s22], $0x3E80  }
0x6f: {  	p0 =	seq.s32 s29, $0x0;
	[sflag:s22] =	ssyncset.done $0x0  }
.Ltmp4:
0x70: {  	s31 =	sadd.s32 $0x16780, s30;
	[sflag:s22] =	ssyncadd.s32 $0xFFFFC180;
	(pc) =	sbr.rel @p0 .LBB2_7-.Ltmp4, $4  }
0x71: {  	[spmem:s1] =	stream.indirect.scatter.add.f32 [tilespmem:s21], [sflag:$0x4], $0x80, s31, s17, $0xb8;
	[tilespmem:$0x1E800] =	vst v63  }
0x72: {  	_ =	swait.ge [sflag:s24], $0x3E80  }
0x73: {  	[sflag:s24] =	ssyncset.done $0x0  }
0x74: {  	[sflag:s24] =	ssyncadd.s32 $0xFFFFC180  }
.Ltmp5:
0x75: {  	(pc) =	sbr.rel .LBB2_5-.Ltmp5, $3  }
0x76: {  	_ =	sdelay $0x1  }
0x77: {  	s30 =	sadd.s32 $0x15400, s30;
	s29 =	sadd.s32 $0x400, s29  }
0x78: {  	[tilespmem:s18], [sflag:$0x1] =	stream.indirect.gather [hbm4b:s4+s17], $0x80, s30, s17, $0xb8;
	[tilespmem:$0x1E800] =	vst v63  }
.LBB2_8:
0x79: {  	_ =	sfence.sel $0x180000  }
0x7a: {  	[bflag:$0x0] =	sbarrier.arrive $0xFFFF  }
0x7b: {  	p0 =	sne.s32 s2, $0x0;
	_ =	strace $0x9000004A  }
0x7c: {  	s0 =	sadd.s32 @!p0 $0x100000, s0;
	[bflag:$0x2] =	sbarrier.arrive $0xFFFF  }
0x7d: {  	[sflag:s0] =	ssyncadd.tile.s32 @!p0 $0x1;
	_ =	shalt  }
.Lfunc_end2:
_tile_overlayer_lowered:
.L_overlay_start_2:
0x7e: {  	(tag) =	ssettag $0x2  }
0x7f: {  	s0 =	rddreg [dreg:$0x0];
	s2 =	stileid.u32  }
0x80: {  	s1 =	rddreg [dreg:$0x1];
	p0 =	sne.s32 s2, $0x0  }
0x81: {  	s3 =	rddreg [dreg:$0x2];
	[bflag:$0x3] =	sbarrier.arrive $0xFFFF;
	s2 =	simm.s32 @!p0 $0x1C05  }
0x82: {  	[timem:s3], [sflag:s2] =	dma.local @!p0 [hbm:s0], s1  }
0x83: {  	s0 =	simm.s32 @!p0 $0x5  }
0x84: {  	_ =	swait.ge @!p0 [sflag:s0], s1  }
0x85: {  	s1 =	ssub.s32 @!p0 $0x0, s1;
	[sflag:s0] =	ssyncset.done @!p0 $0x0  }
0x86: {  	[sflag:s0] =	ssyncadd.s32 @!p0 s1  }
0x87: {  	[bflag:$0x3] =	sbarrier.arrive $0xFFFF  }
0x88: {  	_ =	shalt  }

// kernel: kernel.9.cloned.1.call-start
scs
__scs_entry_jumppad:
0x0: {  	(pc) =	sbr.rel $0x88, $3  }
0x1: {  	(tag) =	ssettag $0x0;
	lr =	simm.s32 $0x1  }
0x2: {  	[smem:$0x3F98] =	sst lr;
	_ =	strace $0xD0000000  }
0x3: {  	_ = 	snop  }
0x4: {  	_ = 	snop  }
0x5: {  	_ = 	snop  }
0x6: {  	_ = 	snop  }
0x7: {  	_ = 	snop  }
__scs_overlays_trampoline_lowered:
0x8: {  	[smem:$0x3FA7] =	sst s0  }
0x9: {  	[smem:$0x3FA8] =	sst s1  }
0xa: {  	[smem:$0x3FA9] =	sst s2  }
0xb: {  	[smem:$0x3FAA] =	sst s3  }
0xc: {  	[smem:$0x3FAB] =	sst s4  }
0xd: {  	[smem:$0x3FAC] =	sst s5  }
0xe: {  	[smem:$0x3FAD] =	sst s6  }
0xf: {  	[smem:$0x3FAE] =	sst s7  }
0x10: {  	[smem:$0x3FAF] =	sst s8  }
0x11: {  	[smem:$0x3FB0] =	sst s9;
	s0 =	simm.s32 @!p0 $0x0  }
0x12: {  	s1 =	sld [smem:$0x3F96];
	s0 =	simm.s32 @p0 $0x1  }
0x13: {  	[smem:$0x3FB1] =	sst s0;
	s0 =	simm.s32 @!p1 $0x0  }
0x14: {  	s2 =	sld [smem:$0x3F95];
	s0 =	simm.s32 @p1 $0x1  }
0x15: {  	[smem:$0x3FB2] =	sst s0;
	s0 =	simm.s32 @!p2 $0x0  }
0x16: {  	s3 =	sld [smem:$0x3FDB];
	s0 =	simm.s32 @p2 $0x1  }
0x17: {  	s4 =	simm.s32 $0x1BF5;
	[smem:$0x3FB4] =	sst s0  }
0x18: {  	s0 =	sld [smem:$0x3F97];
	_ =	swait.ge [sflag:s4], $0x0  }
0x19: {  	s7 =	sld [smem:$0x3F98]  }
0x1a: {  	s8 =	sadd.s32 $0xFFFFE003, lr  }
0x1b: {  	s9 =	sadd.s32 $0xFFFFFEF7, lr;
	s5 =	simm.s32 $0xFFFFFFFF;
	p2 =	slt.u32 s8, $0xFFFFF086  }
0x1c: {  	p1 =	slt.u32 s9, $0xF7A;
	s5 =	simm.s32 @!p2 $0x0  }
0x1d: {  	s5 =	simm.s32 @p1 $0x1;
	p0 =	seq.s32 s7, s2  }
0x1e: {  	s7 =	smul.u32 @!p0 $0xF7A, s2;
	p2 =	seq.s32 @!p0 s5, $0x0  }
0x1f: {  	s9 =	smul.u32 $0xF7A, s1;
	s8 =	simm.s32 @!p0 $0x1BF5;
	p2 =	por !p2, p0  }
0x20: {  	[sflag:s8] =	ssyncset.s32 @!p0 $0xFFFFF086;
	s6 =	sadd.s32 @!p0 s3, s7;
	s7 =	simm.s32 @!p0 $0x108  }
0x21: {  	s3 =	sadd.s32 s3, s9;
	s6 =	sadd.s32 @!p0 $0x88, s6;
	s7 =	simm.s32 @p2 $0x1082  }
0x22: {  	[simem:s7], [sflag:s8] =	dma.local @!p0 [hbm:s6], $0xF7A  }
0x23: {  	s9 =	sor.u32 $0xD0000000, s2;
	s6 =	simm.s32 $0x108;
	_ =	swait.ge @!p0 [sflag:s8], $0x0  }
0x24: {  	s3 =	sadd.s32 $0x88, s3;
	s6 =	simm.s32 @!p1 $0x1082;
	[sflag:s4] =	ssyncset.s32 $0xFFFFF086  }
0x25: {  	[simem:s6], [sflag:s4] =	dma.local [hbm:s3], $0xF7A  }
0x26: {  	[smem:$0x3F98] =	sst s1;
	(tag) =	ssettag s2;
	_ =	strace s9  }
0x27: {  	s1 =	sld [smem:$0x3FA8]  }
0x28: {  	s2 =	sld [smem:$0x3FA9]  }
0x29: {  	s4 =	sld [smem:$0x3FAB]  }
0x2a: {  	p0 =	seq.s32 s5, $0x0;
	s5 =	sld [smem:$0x3FAC]  }
0x2b: {  	s6 =	sld [smem:$0x3FAD]  }
0x2c: {  	s7 =	sld [smem:$0x3FAE]  }
0x2d: {  	s3 =	simm.s32 $0x108;
	s8 =	sld [smem:$0x3FAF]  }
0x2e: {  	s3 =	simm.s32 @!p0 $0x1082;
	s9 =	sld [smem:$0x3FB0]  }
0x2f: {  	lr =	sadd.s32 s0, s3;
	s0 =	sld [smem:$0x3FA7]  }
0x30: {  	s3 =	sld [smem:$0x3FAA]  }
0x31: {  	[smem:$0x3FB3] =	sst s10  }
0x32: {  	s10 =	sld [smem:$0x3FB1];
	_ =	sdelay $0x3  }
0x33: {  	p0 =	seq.s32 s10, $0x1;
	s10 =	sld [smem:$0x3FB3];
	_ =	sdelay $0x3  }
0x34: {  	[smem:$0x3FB3] =	sst s10  }
0x35: {  	s10 =	sld [smem:$0x3FB2];
	_ =	sdelay $0x3  }
0x36: {  	p1 =	seq.s32 s10, $0x1;
	s10 =	sld [smem:$0x3FB3];
	_ =	sdelay $0x3  }
0x37: {  	[smem:$0x3FB3] =	sst s10  }
0x38: {  	s10 =	sld [smem:$0x3FB4]  }
0x39: {  	_ = 	snop;
	(pc) =	sbr.ind lr, $3  }
0x3a: {  	_ = 	snop  }
0x3b: {  	_ = 	snop  }
0x3c: {  	p2 =	seq.s32 s10, $0x1;
	s10 =	sld [smem:$0x3FB3]  }
0x3d: {  	_ =	shalt  }
0x3e: {  	_ =	shalt  }
0x3f: {  	_ =	shalt  }
0x40: {  	_ =	shalt  }
0x41: {  	_ =	shalt  }
0x42: {  	_ =	shalt  }
0x43: {  	_ =	shalt  }
0x44: {  	_ =	shalt  }
0x45: {  	_ =	shalt  }
0x46: {  	_ =	shalt  }
0x47: {  	_ =	shalt  }
0x48: {  	_ =	shalt  }
0x49: {  	_ =	shalt  }
0x4a: {  	_ =	shalt  }
0x4b: {  	_ =	shalt  }
0x4c: {  	_ =	shalt  }
0x4d: {  	_ =	shalt  }
0x4e: {  	_ =	shalt  }
0x4f: {  	_ =	shalt  }
0x50: {  	_ =	shalt  }
0x51: {  	_ =	shalt  }
0x52: {  	_ =	shalt  }
0x53: {  	_ =	shalt  }
0x54: {  	_ =	shalt  }
0x55: {  	_ =	shalt  }
0x56: {  	_ =	shalt  }
0x57: {  	_ =	shalt  }
0x58: {  	_ =	shalt  }
0x59: {  	_ =	shalt  }
0x5a: {  	_ =	shalt  }
0x5b: {  	_ =	shalt  }
0x5c: {  	_ =	shalt  }
0x5d: {  	_ =	shalt  }
0x5e: {  	_ =	shalt  }
0x5f: {  	_ =	shalt  }
0x60: {  	_ =	shalt  }
0x61: {  	_ =	shalt  }
0x62: {  	_ =	shalt  }
0x63: {  	_ =	shalt  }
0x64: {  	_ =	shalt  }
0x65: {  	_ =	shalt  }
0x66: {  	_ =	shalt  }
0x67: {  	_ =	shalt  }
0x68: {  	_ =	shalt  }
0x69: {  	_ =	shalt  }
0x6a: {  	_ =	shalt  }
0x6b: {  	_ =	shalt  }
0x6c: {  	_ =	shalt  }
0x6d: {  	_ =	shalt  }
0x6e: {  	_ =	shalt  }
0x6f: {  	_ =	shalt  }
0x70: {  	_ =	shalt  }
0x71: {  	_ =	shalt  }
0x72: {  	_ =	shalt  }
0x73: {  	_ =	shalt  }
0x74: {  	_ =	shalt  }
0x75: {  	_ =	shalt  }
0x76: {  	_ =	shalt  }
0x77: {  	_ =	shalt  }
0x78: {  	_ =	shalt  }
0x79: {  	_ =	shalt  }
0x7a: {  	_ =	shalt  }
0x7b: {  	_ =	shalt  }
0x7c: {  	_ =	shalt  }
0x7d: {  	_ =	shalt  }
0x7e: {  	_ =	shalt  }
0x7f: {  	_ =	shalt  }
0x80: {  	_ =	shalt  }
0x81: {  	_ =	shalt  }
0x82: {  	_ =	shalt  }
0x83: {  	_ =	shalt  }
0x84: {  	_ =	shalt  }
0x85: {  	_ =	shalt  }
0x86: {  	_ =	shalt  }
0x87: {  	_ =	shalt  }
.Lfunc_end0:
.L_simem_size_0:
called_computation_lowered:
.L_overlay_start_0:
0x88: {  	s2 =	sld [smem:$0x3FD9]  }
0x89: {  	s3 =	sld [smem:$0x3FFE];
	_ =	sdelay $0x1  }
0x8a: {  	s1 =	srdreg.scid  }
0x8b: {  	s0 =	sand.u32 $0x1, s1  }
0x8c: {  	s17 =	sshll.u32 s0, $0xA;
	s2 =	sadd.s32 s3, s2  }
0x8d: {  	s2 =	sadd.s32 s2, s17  }
0x8e: {  	[smem:$0x3FBF] =	sst s2  }
0x8f: {  	_ = 	snop  }
0x90: {  	s2 =	sld [smem:$0x3FD0];
	(tm) =	ssettm $0x1  }
0x91: {  	s18 =	sld [smem:$0x3FFB];
	_ =	sdelay $0x3  }
0x92: {  	_ =	strace s18  }
0x93: {  	s3 =	sld [smem:$0x3FFC];
	_ =	sdelay $0x3  }
0x94: {  	_ =	strace s3  }
0x95: {  	s3 =	sld [smem:$0x3FFD];
	_ =	sdelay $0x3  }
0x96: {  	_ =	strace s3  }
0x97: {  	_ =	strace $0x8FFFFFFF  }
0x98: {  	s19 =	sld [smem:$0x3FDB];
	_ =	sdelay $0x1  }
0x99: {  	s4 =	simm.s32 $_scs_section_size  }
0x9a: {  	s5 =	simm.s32 $_size__tile_overlayer_lowered;
	s6 =	simm.s32 $_tile_overlayer_lowered  }
0x9b: {  	s22 =	simm.s32 $0x1BFF;
	s21 =	sshll.u32 s6, $0x1;
	s3 =	sadd.s32 s4, s19  }
0x9c: {  	s7 =	simm.s32 $0x0;
	s20 =	sshll.u32 s5, $0x1;
	s5 =	sadd.s32 s21, s3  }
0x9d: {  	[timem:s7], [sflag:s22] =	dma.local [hbm:s5], s20  }
0x9e: {  	_ =	swait.ge [sflag:s22], s20  }
0x9f: {  	s4 =	ssub.s32 $0x0, s20;
	[sflag:s22] =	ssyncset.done $0x0  }
0xa0: {  	[sflag:s22] =	ssyncadd.s32 s4;
	_ =	sdelay $0x1  }
0xa1: {  	s23 =	simm.s32 $0x1B8B  }
0xa2: {  	_ =	swait.ge [sflag:s23], $0x1  }
0xa3: {  	[sflag:s23] =	ssyncset.done $0x0  }
0xa4: {  	s25 =	simm.s32 $0x1B8E;
	s24 =	sld [smem:$0x3FFE];
	[sflag:s23] =	ssyncadd.s32 $0xFFFFFFFF  }
0xa5: {  	s26 =	simm.s32 $execute0_lowered;
	[smem:$0x3FD2] =	sst s25  }
0xa6: {  	s5 =	sshll.u32 s26, $0x1;
	_ =	strace $0x80000046;
	[dreg:$0x1] =	wrdreg $0xFFFFFFFF  }
0xa7: {  	s28 =	simm.s32 $_size_execute0_lowered;
	s3 =	sadd.s32 s3, s5;
	[dreg:$0x0] =	wrdreg $0x0  }
0xa8: {  	s5 =	sshll.u32 s28, $0x1;
	[dreg:$0x2] =	wrdreg s3  }
0xa9: {  	[dreg:$0x3] =	wrdreg s5  }
0xaa: {  	[dreg:$0x4] =	wrdreg $0xC0  }
0xab: {  	_ =	task [dreg:s7], $0x5FFFF  }
0xac: {  	[dreg:$0x1] =	wrdreg $0xFFFFFFFF  }
0xad: {  	[dreg:$0x0] =	wrdreg $0x60  }
0xae: {  	[dreg:$0x2] =	wrdreg s24  }
0xaf: {  	[dreg:$0x3] =	wrdreg s2  }
0xb0: {  	[dreg:$0x4] =	wrdreg $0x0  }
0xb1: {  	[dreg:$0x5] =	wrdreg $0x9  }
0xb2: {  	_ =	task.clear_ibuf [dreg:s7], $0x6FFFF;
	_ =	strace $0x90000046  }
0xb3: {  	s29 =	simm.s32 $0x9;
	_ =	strace $0x80000048  }
0xb4: {  	_ =	swait.ge [sflag:s29], $0x1  }
0xb5: {  	[sflag:s29] =	ssyncadd.s32 $0xFFFFFFFF  }
0xb6: {  	_ =	strace $0x90000048  }
0xb7: {  	_ =	sfence  }
0xb8: {  	s30 =	sld [smem:$0x0];
	_ =	sdelay $0x2  }
0xb9: {  	s31 =	sshll.u32 s1, $0xD;
	s1 =	sshrl.u32 s1, $0x2  }
0xba: {  	s3 =	sand.u32 $0x4000, s31;
	s1 =	sadd.s32 s1, s30  }
0xbb: {  	s0 =	sor.u32 s3, s0;
	s1 =	sshll.u32 s1, $0x11  }
0xbc: {  	s0 =	sor.u32 s1, s0  }
0xbd: {  	s0 =	sadd.s32 $0x8F2B, s0  }
0xbe: {  	[sflag:s0] =	ssyncadd.remote.s32 $0x1  }
0xbf: {  	_ =	sfence.sel $0xFFFF  }
0xc0: {  	[dreg:$0x0] =	wrdreg $0xFFFFFFFF;
	(pc) =	sbr.abs _section_cstart, $3  }
0xc1: {  	[dreg:$0x1] =	wrdreg $0xFFFFFFFF  }
0xc2: {  	_ =	task.clear_ibuf [dreg:s7], $0x2FFFF;
	_ =	strace $0x9FFFFFFF  }
0xc3: {  	(tm) =	ssettm $0x7FFFFFFF  }
tec
execute0_lowered:
.L_overlay_start_1:
0x0: {  	(tag) =	ssettag $0x1  }
0x1: {  	s6 =	rddreg [dreg:$0x0]  }
0x2: {  	s9 =	rddreg [dreg:$0x1]  }
0x3: {  	s1 =	rddreg [dreg:$0x2]  }
0x4: {  	s2 =	srdreg.scid;
	s0 =	rddreg [dreg:$0x3]  }
0x5: {  	s3 =	simm.s32 $0x0;
	s15 =	simm.s32 $0x14000;
	s16 =	simm.s32 $0x15400  }
0x6: {  	s17 =	simm.s32 $0x7D;
	s18 =	simm.s32 $0x16800;
	s19 =	simm.s32 $0x1  }
0x7: {  	s20 =	simm.s32 $0x14080;
	s21 =	simm.s32 $0x1A800;
	s28 =	simm.s32 $0x0  }
0x8: {  	s5 =	sand.u32 $0x1, s2;
	s2 =	stileid.u32;
	[smem:$0x7FF] =	sst s3  }
0x9: {  	s4 =	sadd.s32 $0xBE00, s6;
	s10 =	sadd.s32 $0x1E00, s6;
	s7 =	smul.u32 $0x140000, s5  }
0xa: {  	s8 =	smul.u32 $0x14000, s2;
	_ =	strace $0x80000047;
	s22 =	sshll.u32 s5, $0x4  }
0xb: {  	s11 =	ssub.s32 $0x2, s5;
	s24 =	smul.u32 $0x50000, s2;
	s5 =	sadd.s32 $0x42AA00, s6  }
0xc: {  	s26 =	sshll.u32 s2, $0x6;
	s23 =	sor.u32 s2, s22;
	s12 =	sshrl.u32 s11, $0x1  }
0xd: {  	s22 =	simm.s32 $0x2;
	s7 =	sadd.s32 s8, s7;
	s13 =	smul.u32 $0x2800, s23  }
0xe: {  	s12 =	ssub.s32 s11, s12;
	s25 =	sshrl.u32 s24, $0x2;
	s23 =	simm.s32 $0x15480  }
0xf: {  	s24 =	simm.s32 $0x3;
	s7 =	sshrl.u32 s7, $0x3;
	s30 =	sadd.s32 s25, s1  }
.Ltmp0:
0x10: {  	s12 =	smax.u32 s12, $0x1;
	s25 =	simm.s32 $0x14100;
	(pc) =	sbr.rel .LBB2_1-.Ltmp0, $4  }
0x11: {  	s14 =	sadd.s32 s7, s6;
	s29 =	sshrl.u32 s13, $0x3;
	s6 =	sor.u32 $0x1C05, s26  }
0x12: {  	s13 =	sshrl.u32 s30, $0x3;
	s26 =	simm.s32 $0x4;
	s31 =	sadd.s32 $0x280, s29  }
0x13: {  	s7 =	sadd.s32 s9, s29;
	s8 =	sadd.s32 s10, s29;
	s11 =	sadd.s32 $0x42D200, s14  }
0x14: {  	s14 =	simm.s32 $0x5;
	s9 =	sadd.s32 s9, s31;
	s10 =	sadd.s32 s10, s31  }
.LBB2_7:
0x15: {  	_ =	swait.ge [sflag:s26], $0x3E80  }
0x16: {  	s28 =	sadd.s32 $0x1, s28;
	[sflag:s26] =	ssyncset.done $0x0  }
0x17: {  	p0 =	sne.s32 s28, s12;
	[sflag:s26] =	ssyncadd.s32 $0xFFFFC180  }
.Ltmp1:
0x18: {  	[bflag:$0x0] =	sbarrier.arrive $0xFFFF;
	(pc) =	sbr.rel @!p0 .LBB2_8-.Ltmp1, $4  }
0x19: {  	[hbm:s11], [sflag:s6] =	dma.local [spmem:s13], $0x2800  }
0x1a: {  	_ =	swait.ge [sflag:s14], $0x2800  }
0x1b: {  	[sflag:s14] =	ssyncset.done $0x0  }
0x1c: {  	[sflag:s14] =	ssyncadd.s32 $0xFFFFD800  }
.LBB2_1:
0x1d: {  	[spmem:s13], [sflag:s6] =	dma.local [hbm:s5], $0x2800  }
0x1e: {  	_ =	swait.ge [sflag:s14], $0x2800  }
0x1f: {  	[sflag:s14] =	ssyncset.done $0x0  }
0x20: {  	[sflag:s14] =	ssyncadd.s32 $0xFFFFD800  }
0x21: {  	[bflag:$0x0] =	sbarrier.arrive $0xFFFF  }
0x22: {  	[tilespmem:s15], [sflag:$0x5] =	stream.linear.gather [hbm4b:s7+s3], $0x1400, $0x38;
	[tilespmem:$0x1E800] =	vst v63  }
0x23: {  	_ =	swait.ge [sflag:s14], $0x1400  }
0x24: {  	[sflag:s14] =	ssyncset.done $0x0  }
0x25: {  	[sflag:s14] =	ssyncadd.s32 $0xFFFFEC00  }
0x26: {  	[tilespmem:s16], [sflag:$0x5] =	stream.linear.gather [hbm4b:s8+s3], $0x1400, $0x38;
	[tilespmem:$0x1E800] =	vst v63  }
0x27: {  	_ =	swait.ge [sflag:s14], $0x1400  }
0x28: {  	[sflag:s14] =	ssyncset.done $0x0  }
0x29: {  	[sflag:s14] =	ssyncadd.s32 $0xFFFFEC00  }
0x2a: {  	[tilespmem:s18], [sflag:$0x1] =	stream.indirect.gather [hbm4b:s4+s17], $0x80, s15, s17, $0xb8;
	[tilespmem:$0x1E800] =	vst v63  }
0x2b: {  	_ =	swait.ge [sflag:s19], $0x3E80  }
0x2c: {  	[sflag:s19] =	ssyncset.done $0x0  }
0x2d: {  	[sflag:s19] =	ssyncadd.s32 $0xFFFFC180  }
0x2e: {  	[spmem:s1] =	stream.indirect.scatter.add.f32 [tilespmem:s18], [sflag:$0x3], $0x80, s16, s17, $0xb8;
	[tilespmem:$0x1E800] =	vst v63  }
0x2f: {  	_ = 	snop  }
0x30: {  	[tilespmem:s21], [sflag:$0x2] =	stream.indirect.gather [hbm4b:s4+s17], $0x80, s20, s17, $0xb8;
	[tilespmem:$0x1E800] =	vst v63  }
0x31: {  	_ =	swait.ge [sflag:s22], $0x3E80  }
0x32: {  	[sflag:s22] =	ssyncset.done $0x0  }
0x33: {  	[sflag:s22] =	ssyncadd.s32 $0xFFFFC180  }
0x34: {  	[spmem:s1] =	stream.indirect.scatter.add.f32 [tilespmem:s21], [sflag:$0x4], $0x80, s23, s17, $0xb8;
	[tilespmem:$0x1E800] =	vst v63  }
0x35: {  	_ =	swait.ge [sflag:s24], $0x3E80  }
0x36: {  	[sflag:s24] =	ssyncset.done $0x0  }
0x37: {  	s29 =	simm.s32 $0xFFFFB800;
	[sflag:s24] =	ssyncadd.s32 $0xFFFFC180  }
0x38: {  	[tilespmem:s18], [sflag:$0x1] =	stream.indirect.gather [hbm4b:s4+s17], $0x80, s25, s17, $0xb8;
	[tilespmem:$0x1E800] =	vst v63  }
.LBB2_2:
0x39: {  	_ =	swait.ge [sflag:s19], $0x3E80  }
0x3a: {  	s30 =	sshra.s32 s29, $0x2;
	[sflag:s19] =	ssyncset.done $0x0  }
0x3b: {  	s31 =	sadd.s32 $0x16700, s30;
	[sflag:s19] =	ssyncadd.s32 $0xFFFFC180  }
0x3c: {  	[spmem:s1] =	stream.indirect.scatter.add.f32 [tilespmem:s18], [sflag:$0x3], $0x80, s31, s17, $0xb8;
	[tilespmem:$0x1E800] =	vst v63  }
0x3d: {  	_ =	swait.ge [sflag:s26], $0x3E80  }
0x3e: {  	[sflag:s26] =	ssyncset.done $0x0  }
0x3f: {  	s31 =	sadd.s32 $0x15380, s30;
	[sflag:s26] =	ssyncadd.s32 $0xFFFFC180  }
0x40: {  	[tilespmem:s21], [sflag:$0x2] =	stream.indirect.gather [hbm4b:s4+s17], $0x80, s31, s17, $0xb8;
	[tilespmem:$0x1E800] =	vst v63  }
0x41: {  	_ =	swait.ge [sflag:s22], $0x3E80  }
0x42: {  	p0 =	seq.s32 s29, $0x0;
	[sflag:s22] =	ssyncset.done $0x0  }
.Ltmp2:
0x43: {  	s31 =	sadd.s32 $0x16780, s30;
	[sflag:s22] =	ssyncadd.s32 $0xFFFFC180;
	(pc) =	sbr.rel @p0 .LBB2_4-.Ltmp2, $4  }
0x44: {  	[spmem:s1] =	stream.indirect.scatter.add.f32 [tilespmem:s21], [sflag:$0x4], $0x80, s31, s17, $0xb8;
	[tilespmem:$0x1E800] =	vst v63  }
0x45: {  	_ =	swait.ge [sflag:s24], $0x3E80  }
0x46: {  	[sflag:s24] =	ssyncset.done $0x0  }
0x47: {  	[sflag:s24] =	ssyncadd.s32 $0xFFFFC180  }
.Ltmp3:
0x48: {  	(pc) =	sbr.rel .LBB2_2-.Ltmp3, $3  }
0x49: {  	_ =	sdelay $0x1  }
0x4a: {  	s30 =	sadd.s32 $0x15400, s30;
	s29 =	sadd.s32 $0x400, s29  }
0x4b: {  	[tilespmem:s18], [sflag:$0x1] =	stream.indirect.gather [hbm4b:s4+s17], $0x80, s30, s17, $0xb8;
	[tilespmem:$0x1E800] =	vst v63  }
.LBB2_4:
0x4c: {  	_ =	swait.ge [sflag:s26], $0x3E80  }
0x4d: {  	[sflag:s26] =	ssyncset.done $0x0  }
0x4e: {  	[sflag:s26] =	ssyncadd.s32 $0xFFFFC180  }
0x4f: {  	[tilespmem:s15], [sflag:$0x5] =	stream.linear.gather [hbm4b:s9+s3], $0x1400, $0x38;
	[tilespmem:$0x1E800] =	vst v63  }
0x50: {  	_ =	swait.ge [sflag:s14], $0x1400  }
0x51: {  	[sflag:s14] =	ssyncset.done $0x0  }
0x52: {  	[sflag:s14] =	ssyncadd.s32 $0xFFFFEC00  }
0x53: {  	[tilespmem:s16], [sflag:$0x5] =	stream.linear.gather [hbm4b:s10+s3], $0x1400, $0x38;
	[tilespmem:$0x1E800] =	vst v63  }
0x54: {  	_ =	swait.ge [sflag:s14], $0x1400  }
0x55: {  	[sflag:s14] =	ssyncset.done $0x0  }
0x56: {  	[sflag:s14] =	ssyncadd.s32 $0xFFFFEC00  }
0x57: {  	[tilespmem:s18], [sflag:$0x1] =	stream.indirect.gather [hbm4b:s4+s17], $0x80, s15, s17, $0xb8;
	[tilespmem:$0x1E800] =	vst v63  }
0x58: {  	_ =	swait.ge [sflag:s19], $0x3E80  }
0x59: {  	[sflag:s19] =	ssyncset.done $0x0  }
0x5a: {  	[sflag:s19] =	ssyncadd.s32 $0xFFFFC180  }
0x5b: {  	[spmem:s1] =	stream.indirect.scatter.add.f32 [tilespmem:s18], [sflag:$0x3], $0x80, s16, s17, $0xb8;
	[tilespmem:$0x1E800] =	vst v63  }
0x5c: {  	_ = 	snop  }
0x5d: {  	[tilespmem:s21], [sflag:$0x2] =	stream.indirect.gather [hbm4b:s4+s17], $0x80, s20, s17, $0xb8;
	[tilespmem:$0x1E800] =	vst v63  }
0x5e: {  	_ =	swait.ge [sflag:s22], $0x3E80  }
0x5f: {  	[sflag:s22] =	ssyncset.done $0x0  }
0x60: {  	[sflag:s22] =	ssyncadd.s32 $0xFFFFC180  }
0x61: {  	[spmem:s1] =	stream.indirect.scatter.add.f32 [tilespmem:s21], [sflag:$0x4], $0x80, s23, s17, $0xb8;
	[tilespmem:$0x1E800] =	vst v63  }
0x62: {  	_ =	swait.ge [sflag:s24], $0x3E80  }
0x63: {  	[sflag:s24] =	ssyncset.done $0x0  }
0x64: {  	s29 =	simm.s32 $0xFFFFB800;
	[sflag:s24] =	ssyncadd.s32 $0xFFFFC180  }
0x65: {  	[tilespmem:s18], [sflag:$0x1] =	stream.indirect.gather [hbm4b:s4+s17], $0x80, s25, s17, $0xb8;
	[tilespmem:$0x1E800] =	vst v63  }
.LBB2_5:
0x66: {  	_ =	swait.ge [sflag:s19], $0x3E80  }
0x67: {  	s30 =	sshra.s32 s29, $0x2;
	[sflag:s19] =	ssyncset.done $0x0  }
0x68: {  	s31 =	sadd.s32 $0x16700, s30;
	[sflag:s19] =	ssyncadd.s32 $0xFFFFC180  }
0x69: {  	[spmem:s1] =	stream.indirect.scatter.add.f32 [tilespmem:s18], [sflag:$0x3], $0x80, s31, s17, $0xb8;
	[tilespmem:$0x1E800] =	vst v63  }
0x6a: {  	_ =	swait.ge [sflag:s26], $0x3E80  }
0x6b: {  	[sflag:s26] =	ssyncset.done $0x0  }
0x6c: {  	s31 =	sadd.s32 $0x15380, s30;
	[sflag:s26] =	ssyncadd.s32 $0xFFFFC180  }
0x6d: {  	[tilespmem:s21], [sflag:$0x2] =	stream.indirect.gather [hbm4b:s4+s17], $0x80, s31, s17, $0xb8;
	[tilespmem:$0x1E800] =	vst v63  }
0x6e: {  	_ =	swait.ge [sflag:s22], $0x3E80  }
0x6f: {  	p0 =	seq.s32 s29, $0x0;
	[sflag:s22] =	ssyncset.done $0x0  }
.Ltmp4:
0x70: {  	s31 =	sadd.s32 $0x16780, s30;
	[sflag:s22] =	ssyncadd.s32 $0xFFFFC180;
	(pc) =	sbr.rel @p0 .LBB2_7-.Ltmp4, $4  }
0x71: {  	[spmem:s1] =	stream.indirect.scatter.add.f32 [tilespmem:s21], [sflag:$0x4], $0x80, s31, s17, $0xb8;
	[tilespmem:$0x1E800] =	vst v63  }
0x72: {  	_ =	swait.ge [sflag:s24], $0x3E80  }
0x73: {  	[sflag:s24] =	ssyncset.done $0x0  }
0x74: {  	[sflag:s24] =	ssyncadd.s32 $0xFFFFC180  }
.Ltmp5:
0x75: {  	(pc) =	sbr.rel .LBB2_5-.Ltmp5, $3  }
0x76: {  	_ =	sdelay $0x1  }
0x77: {  	s30 =	sadd.s32 $0x15400, s30;
	s29 =	sadd.s32 $0x400, s29  }
0x78: {  	[tilespmem:s18], [sflag:$0x1] =	stream.indirect.gather [hbm4b:s4+s17], $0x80, s30, s17, $0xb8;
	[tilespmem:$0x1E800] =	vst v63  }
.LBB2_8:
0x79: {  	_ =	sfence.sel $0x180000  }
0x7a: {  	[bflag:$0x0] =	sbarrier.arrive $0xFFFF  }
0x7b: {  	p0 =	sne.s32 s2, $0x0;
	_ =	strace $0x90000047  }
0x7c: {  	s0 =	sadd.s32 @!p0 $0x100000, s0;
	[bflag:$0x2] =	sbarrier.arrive $0xFFFF  }
0x7d: {  	[sflag:s0] =	ssyncadd.tile.s32 @!p0 $0x1;
	_ =	shalt  }
.Lfunc_end2:
_tile_overlayer_lowered:
.L_overlay_start_2:
0x7e: {  	(tag) =	ssettag $0x2  }
0x7f: {  	s0 =	rddreg [dreg:$0x0];
	s2 =	stileid.u32  }
0x80: {  	s1 =	rddreg [dreg:$0x1];
	p0 =	sne.s32 s2, $0x0  }
0x81: {  	s3 =	rddreg [dreg:$0x2];
	[bflag:$0x3] =	sbarrier.arrive $0xFFFF;
	s2 =	simm.s32 @!p0 $0x1C05  }
0x82: {  	[timem:s3], [sflag:s2] =	dma.local @!p0 [hbm:s0], s1  }
0x83: {  	s0 =	simm.s32 @!p0 $0x5  }
0x84: {  	_ =	swait.ge @!p0 [sflag:s0], s1  }
0x85: {  	s1 =	ssub.s32 @!p0 $0x0, s1;
	[sflag:s0] =	ssyncset.done @!p0 $0x0  }
0x86: {  	[sflag:s0] =	ssyncadd.s32 @!p0 s1  }
0x87: {  	[bflag:$0x3] =	sbarrier.arrive $0xFFFF  }
0x88: {  	_ =	shalt  }

</sc_bundles>
